<compile_context>
chip_gen: v7x
topology: tpu7x:2x2x1
jax: 0.10.2.dev20260603
libtpu: 0.0.44.dev20260713+nightly
codegen_flags: <defaults>
</compile_context>

<pallas_src>
import functools

import jax
import jax.numpy as jnp
from jax import lax
from jax.experimental import pallas as pl
from jax.experimental.pallas import tpu as pltpu
from jax.experimental.pallas import tpu_sc as plsc

NUM_CODES = 8192
DIM = 256
NUM_TOKENS = 8192
TOK_BLOCK = 1024
CODE_CHUNK = 512


def _argmin_body(x_ref, fnorm_ref, cbn_ref, cb_ref, idx_ref):
    x = x_ref[0].T
    fn = fnorm_ref[...]
    fiota = lax.broadcasted_iota(jnp.int32, (TOK_BLOCK, CODE_CHUNK), 1
                                 ).astype(jnp.float32)
    nchunks = NUM_CODES // CODE_CHUNK

    def chunk_mm(j):
        lo = j * CODE_CHUNK
        cbj = cb_ref[lo:lo + CODE_CHUNK, :]
        return lax.dot_general(x, cbj, (((1,), (1,)), ((), ())),
                               preferred_element_type=jnp.float32)

    def chunk_reduce(j, mm):
        lo = j * CODE_CHUNK
        d = (fn - 2.0 * mm) + cbn_ref[:, lo:lo + CODE_CHUNK]
        m = jnp.min(d, axis=1, keepdims=True)
        li_f = jnp.min(jnp.where(d == m, fiota, jnp.float32(1e30)),
                       axis=1, keepdims=True)
        li = li_f.astype(jnp.int32) + lo
        return m, li

    best = besti = None
    mm = chunk_mm(0)
    for j in range(nchunks):
        mm_next = chunk_mm(j + 1) if j + 1 < nchunks else None
        m, li = chunk_reduce(j, mm)
        if best is None:
            best, besti = m, li
        else:
            upd = m < best
            besti = jnp.where(upd, li, besti)
            best = jnp.where(upd, m, best)
        mm = mm_next
    idx_ref[...] = besti


_argmin_call = pl.pallas_call(
    _argmin_body,
    grid=(NUM_TOKENS // TOK_BLOCK,),
    in_specs=[
        pl.BlockSpec((1, DIM, TOK_BLOCK), lambda b: (b, 0, 0)),
        pl.BlockSpec((TOK_BLOCK, 1), lambda b: (b, 0)),
        pl.BlockSpec((1, NUM_CODES), lambda b: (0, 0)),
        pl.BlockSpec((NUM_CODES, DIM), lambda b: (0, 0)),
    ],
    out_specs=pl.BlockSpec((TOK_BLOCK, 1), lambda b: (b, 0)),
    out_shape=jax.ShapeDtypeStruct((NUM_TOKENS, 1), jnp.int32),
)


@functools.lru_cache(maxsize=1)
def _make_gather():
    nw = 32
    bpw = NUM_TOKENS // nw
    mesh = plsc.VectorSubcoreMesh(core_axis_name="c", subcore_axis_name="s")

    @functools.partial(
        pl.kernel,
        out_type=jax.ShapeDtypeStruct((NUM_TOKENS, DIM), jnp.float32),
        mesh=mesh,
        scratch_types=[
            pltpu.VMEM((bpw,), jnp.int32),
            pltpu.VMEM((bpw, DIM), jnp.float32),
            pltpu.SemaphoreType.DMA,
        ],
    )
    def gather_k(table_hbm, idx_hbm, out_hbm, idx_v, rows_v, sem):
        wid = lax.axis_index("s") * 2 + lax.axis_index("c")
        base = wid * bpw
        pltpu.sync_copy(idx_hbm.at[pl.ds(base, bpw)], idx_v)
        pltpu.async_copy(table_hbm.at[idx_v], rows_v, sem).wait()
        pltpu.sync_copy(rows_v, out_hbm.at[pl.ds(base, bpw)])

    return gather_k


def _transpose_body(q_ref, out_ref):
    out_ref[0] = q_ref[0].T


_transpose_call = pl.pallas_call(
    _transpose_body,
    grid=(NUM_TOKENS // TOK_BLOCK,),
    in_specs=[pl.BlockSpec((1, TOK_BLOCK, DIM), lambda b: (b, 0, 0))],
    out_specs=pl.BlockSpec((1, DIM, TOK_BLOCK), lambda b: (b, 0, 0)),
    out_shape=jax.ShapeDtypeStruct((NUM_TOKENS // TOK_BLOCK, DIM, TOK_BLOCK),
                                   jnp.float32),
)


def kernel(input, codebook):
    B, C, H, W = input.shape
    x3 = input.reshape(B, C, H * W)
    fnorm = jnp.sum(input ** 2, axis=1).reshape(-1, 1)
    cbnorm = jnp.sum(codebook ** 2, axis=1)[None, :]
    idx = _argmin_call(x3, fnorm, cbnorm, codebook)
    q = _make_gather()(codebook, idx.reshape(-1))
    out = _transpose_call(q.reshape(B, H * W, DIM)).reshape(B, C, H, W)
    return out, out

# --- scband reference (transcript-rebuilt; emitter-appended) ---
"""Pipeline reference for scband-vector-quantizer-46969762349475 (READ-ONLY COPY).

The authoritative reference and input builder live on the scoring server;
editing this copy changes nothing except your own understanding.
"""

import jax, jax.numpy as jnp
import numpy as np

NUM_EMBEDDINGS = 8192
EMBEDDING_DIM = 256


def setup_inputs(seed: int = 0) -> dict:
    key = jax.random.key(seed)
    k1, k2 = jax.random.split(key)
    inp = jax.random.normal(k1, (8, 256, 32, 32), dtype=jnp.float32)
    codebook = jax.random.uniform(
        k2, (NUM_EMBEDDINGS, EMBEDDING_DIM), dtype=jnp.float32,
        minval=-1.0 / NUM_EMBEDDINGS, maxval=1.0 / NUM_EMBEDDINGS)
    return {"input": inp, "codebook": codebook}


def reference(input, codebook):
    # permute BCHW -> BHWC
    x = jnp.transpose(input, (0, 2, 3, 1))
    B, H, W, D = x.shape
    flat = x.reshape(-1, D)
    # squared L2 distances to every codebook vector
    dists = (jnp.sum(flat ** 2, axis=1, keepdims=True)
             - 2.0 * flat @ codebook.T
             + jnp.sum(codebook ** 2, axis=1)[None, :])
    latents = jnp.argmin(dists, axis=1)
    q = jnp.take(codebook, latents, axis=0).reshape(B, H, W, D)
    # straight-through output: values of q, gradient flows only to input
    quantized_st = x + jax.lax.stop_gradient(q - x)
    quantized_st = jnp.transpose(quantized_st, (0, 3, 1, 2))
    # embedding-lookup output: gradient flows to codebook
    quantized = jnp.transpose(q, (0, 3, 1, 2))
    return (quantized_st, quantized)

if __name__ == "__main__":
    import jax
    _d = setup_inputs()
    print(jax.jit(kernel)(*tuple(_d.values())))

</pallas_src>

<mosaic_0001>
#map = affine_map<(d0, d1) -> (0, 0)>
#map1 = affine_map<(d0, d1) -> (0)>
module attributes {stable_mosaic.version = 14 : i64} {
  func.func @gather_k(%arg0: i32, %arg1: i32, %arg2: memref<8192x256xf32, #tpu.memory_space<hbm>>, %arg3: memref<8192xi32, #tpu.memory_space<hbm>>, %arg4: memref<8192x256xf32, #tpu.memory_space<hbm>>, %arg5: memref<256xi32, #tpu.memory_space<vmem>>, %arg6: memref<256x256xf32, #tpu.memory_space<vmem>>, %arg7: memref<!tpu.dma_semaphore, #tpu.memory_space<semaphore_mem>>) attributes {dimension_semantics = [#tpu.dimension_semantics<core_parallel>, #tpu.dimension_semantics<subcore_parallel>], iteration_bounds = array<i64: 2, 16>, scalar_prefetch = 0 : i64, scratch_operands = 3 : i64, tpu.core_type = #tpu.core_type<sc_vector_subcore>, window_params = [{transform_indices = #map}, {transform_indices = #map1}, {transform_indices = #map}]} {
    %mul3A = arith.constant 2 : i32
    %mul3A_0 = arith.muli %arg1, %mul3A : i32
    %add3A = arith.addi %mul3A_0, %arg0 : i32
    %mul3A_1 = arith.constant 256 : i32
    %mul3A_2 = arith.muli %add3A, %mul3A_1 : i32
    "tpu.region"() ({
      %run_scoped3A = tpu.sem_alloc : memref<!tpu.dma_semaphore, #tpu.memory_space<semaphore_mem>>
      %dma_start3A_7 = tpu.memref_slice %arg3[%mul3A_2] : memref<8192xi32, #tpu.memory_space<hbm>> -> memref<256xi32, #tpu.memory_space<hbm>>
      %dma_start3A_8 = tpu.memref_slice %arg3[%mul3A_2] : memref<8192xi32, #tpu.memory_space<hbm>> -> memref<256xi32, #tpu.memory_space<hbm>>
      tpu.enqueue_dma source(%dma_start3A_8 : memref<256xi32, #tpu.memory_space<hbm>>) target(%arg5 : memref<256xi32, #tpu.memory_space<vmem>>) target_semaphore(%run_scoped3A : memref<!tpu.dma_semaphore, #tpu.memory_space<semaphore_mem>>)
      %dma_wait3A_9 = tpu.memref_slice %arg3[%mul3A_2] : memref<8192xi32, #tpu.memory_space<hbm>> -> memref<256xi32, #tpu.memory_space<hbm>>
      %dma_wait3A_10 = tpu.memref_slice %arg3[%mul3A_2] : memref<8192xi32, #tpu.memory_space<hbm>> -> memref<256xi32, #tpu.memory_space<hbm>>
      tpu.wait_dma2 semaphore(%run_scoped3A : memref<!tpu.dma_semaphore, #tpu.memory_space<semaphore_mem>>) src(%dma_wait3A_10 : memref<256xi32, #tpu.memory_space<hbm>>) dst(%arg5 : memref<256xi32, #tpu.memory_space<vmem>>)
      tpu.yield
    }) : () -> ()
    %dma_start3A = arith.constant 0 : i32
    %dma_start3A_3 = arith.constant 0 : i32
    %dma_start3A_4 = tpu.memref_slice %arg2[%dma_start3A, %dma_start3A_3] : memref<8192x256xf32, #tpu.memory_space<hbm>> -> memref<8192x256xf32, #tpu.memory_space<hbm>>
    tpu.enqueue_indirect_dma source(%dma_start3A_4 : memref<8192x256xf32, #tpu.memory_space<hbm>>) target(%arg6 : memref<256x256xf32, #tpu.memory_space<vmem>>) offsets(%arg5 : memref<256xi32, #tpu.memory_space<vmem>>) semaphore(%arg7 : memref<!tpu.dma_semaphore, #tpu.memory_space<semaphore_mem>>)
    %dma_wait3A = arith.constant 0 : i32
    %dma_wait3A_5 = arith.constant 0 : i32
    %dma_wait3A_6 = tpu.memref_slice %arg2[%dma_wait3A, %dma_wait3A_5] : memref<8192x256xf32, #tpu.memory_space<hbm>> -> memref<8192x256xf32, #tpu.memory_space<hbm>>
    tpu.wait_indirect_dma semaphore(%arg7 : memref<!tpu.dma_semaphore, #tpu.memory_space<semaphore_mem>>) src(%dma_wait3A_6 : memref<8192x256xf32, #tpu.memory_space<hbm>>) dst(%arg6 : memref<256x256xf32, #tpu.memory_space<vmem>>)
    "tpu.region"() ({
      %run_scoped3A = tpu.sem_alloc : memref<!tpu.dma_semaphore, #tpu.memory_space<semaphore_mem>>
      %dma_start3A_7 = arith.constant 0 : i32
      %dma_start3A_8 = tpu.memref_slice %arg4[%mul3A_2, %dma_start3A_7] : memref<8192x256xf32, #tpu.memory_space<hbm>> -> memref<256x256xf32, #tpu.memory_space<hbm>>
      %dma_start3A_9 = arith.constant 0 : i32
      %dma_start3A_10 = tpu.memref_slice %arg4[%mul3A_2, %dma_start3A_9] : memref<8192x256xf32, #tpu.memory_space<hbm>> -> memref<256x256xf32, #tpu.memory_space<hbm>>
      tpu.enqueue_dma source(%arg6 : memref<256x256xf32, #tpu.memory_space<vmem>>) target(%dma_start3A_10 : memref<256x256xf32, #tpu.memory_space<hbm>>) target_semaphore(%run_scoped3A : memref<!tpu.dma_semaphore, #tpu.memory_space<semaphore_mem>>)
      %dma_wait3A_11 = arith.constant 0 : i32
      %dma_wait3A_12 = tpu.memref_slice %arg4[%mul3A_2, %dma_wait3A_11] : memref<8192x256xf32, #tpu.memory_space<hbm>> -> memref<256x256xf32, #tpu.memory_space<hbm>>
      %dma_wait3A_13 = arith.constant 0 : i32
      %dma_wait3A_14 = tpu.memref_slice %arg4[%mul3A_2, %dma_wait3A_13] : memref<8192x256xf32, #tpu.memory_space<hbm>> -> memref<256x256xf32, #tpu.memory_space<hbm>>
      tpu.wait_dma2 semaphore(%run_scoped3A : memref<!tpu.dma_semaphore, #tpu.memory_space<semaphore_mem>>) src(%arg6 : memref<256x256xf32, #tpu.memory_space<vmem>>) dst(%dma_wait3A_14 : memref<256x256xf32, #tpu.memory_space<hbm>>)
      tpu.yield
    }) : () -> ()
    return
  }
}

module attributes {stable_mosaic.version = 14 : i64} {
  func.func @_argmin_body(%arg0: i32, %arg1: memref<1x256x1024xf32, #tpu.memory_space<vmem>>, %arg2: memref<1024x1xf32, #tpu.memory_space<vmem>>, %arg3: memref<1x8192xf32, #tpu.memory_space<vmem>>, %arg4: memref<8192x256xf32, #tpu.memory_space<vmem>>, %arg5: memref<1024x1xi32, #tpu.memory_space<vmem>>) attributes {dimension_semantics = [#tpu.dimension_semantics<arbitrary>], iteration_bounds = array<i64: 8>, scalar_prefetch = 0 : i64, scratch_operands = 0 : i64, tpu.core_type = #tpu.core_type<tc>, window_params = [{transform_indices = @transform_0, window_bounds = array<i64: 1, 256, 1024>}, {transform_indices = @transform_1, window_bounds = array<i64: 1024, 1>}, {pipeline_mode = #tpu.pipeline_mode<synchronous>, transform_indices = @transform_2, window_bounds = array<i64: 1, 8192>}, {pipeline_mode = #tpu.pipeline_mode<synchronous>, transform_indices = @transform_3, window_bounds = array<i64: 8192, 256>}, {transform_indices = @transform_4, window_bounds = array<i64: 1024, 1>}]} {
    %get3A = arith.constant 0 : index
    %get3A_0 = arith.constant 0 : index
    %get3A_1 = arith.constant 0 : index
    %get3A_2 = vector.load %arg1[%get3A, %get3A_0, %get3A_1] : memref<1x256x1024xf32, #tpu.memory_space<vmem>>, vector<1x256x1024xf32>
    %get3A_3 = vector.shape_cast %get3A_2 : vector<1x256x1024xf32> to vector<256x1024xf32>
    %transpose3A = tpu.transpose %get3A_3, [1, 0] : vector<256x1024xf32> -> vector<1024x256xf32>
    %get3A_4 = arith.constant 0 : index
    %get3A_5 = arith.constant 0 : index
    %get3A_6 = vector.load %arg2[%get3A_4, %get3A_5] : memref<1024x1xf32, #tpu.memory_space<vmem>>, vector<1024x1xf32>
    %iota3A = tpu.iota {dimensions = array<i32: 1>} : vector<1024x512xi32>
    %convert_element_type3A = arith.sitofp %iota3A : vector<1024x512xi32> to vector<1024x512xf32>
    %get3A_7 = arith.constant 0 : index
    %get3A_8 = arith.constant 0 : index
    %get3A_9 = vector.load %arg4[%get3A_7, %get3A_8] : memref<8192x256xf32, #tpu.memory_space<vmem>>, vector<512x256xf32>
    %dot_general3A = arith.constant dense<0.000000e+00> : vector<1024x512xf32>
    %dot_general3A_10 = tpu.matmul %transpose3A, %get3A_9, %dot_general3A {dimension_numbers = #tpu.dot_dimension_numbers<[1], [1], [0], [0], [0, 0, 1, 0], [], []>, transpose_lhs_hint = false} : vector<1024x256xf32>, vector<512x256xf32>, vector<1024x512xf32> -> vector<1024x512xf32>
    %get3A_11 = arith.constant 512 : index
    %get3A_12 = arith.constant 0 : index
    %get3A_13 = vector.load %arg4[%get3A_11, %get3A_12] : memref<8192x256xf32, #tpu.memory_space<vmem>>, vector<512x256xf32>
    %dot_general3A_14 = arith.constant dense<0.000000e+00> : vector<1024x512xf32>
    %dot_general3A_15 = tpu.matmul %transpose3A, %get3A_13, %dot_general3A_14 {dimension_numbers = #tpu.dot_dimension_numbers<[1], [1], [0], [0], [0, 0, 1, 0], [], []>, transpose_lhs_hint = false} : vector<1024x256xf32>, vector<512x256xf32>, vector<1024x512xf32> -> vector<1024x512xf32>
    %mul3A = arith.constant 2.000000e+00 : f32
    %mul3A_16 = vector.broadcast %mul3A : f32 to vector<1024x512xf32>
    %mul3A_17 = arith.mulf %mul3A_16, %dot_general3A_10 : vector<1024x512xf32>
    %sub3A = vector.broadcast %get3A_6 : vector<1024x1xf32> to vector<1024x512xf32>
    %sub3A_18 = arith.subf %sub3A, %mul3A_17 : vector<1024x512xf32>
    %get3A_19 = arith.constant 0 : index
    %get3A_20 = arith.constant 0 : index
    %get3A_21 = vector.load %arg3[%get3A_19, %get3A_20] : memref<1x8192xf32, #tpu.memory_space<vmem>>, vector<1x512xf32>
    %add3A = vector.broadcast %get3A_21 : vector<1x512xf32> to vector<1024x512xf32>
    %add3A_22 = arith.addf %sub3A_18, %add3A : vector<1024x512xf32>
    %reduce_min3A = arith.constant dense<0x7F800000> : vector<1024xf32>
    %reduce_min3A_23 = vector.multi_reduction <minimumf>, %add3A_22, %reduce_min3A [1] : vector<1024x512xf32> to vector<1024xf32>
    %broadcast_in_dim3A = vector.shape_cast %reduce_min3A_23 : vector<1024xf32> to vector<1024x1xf32>
    %eq3A = vector.broadcast %broadcast_in_dim3A : vector<1024x1xf32> to vector<1024x512xf32>
    %eq3A_24 = arith.cmpf oeq, %add3A_22, %eq3A : vector<1024x512xf32>
    %jit3A = arith.constant 1.000000e+30 : f32
    %broadcast_in_dim3A_25 = vector.broadcast %jit3A : f32 to vector<1024x512xf32>
    %select_n3A = arith.select %eq3A_24, %convert_element_type3A, %broadcast_in_dim3A_25 : vector<1024x512xi1>, vector<1024x512xf32>
    %reduce_min3A_26 = arith.constant dense<0x7F800000> : vector<1024xf32>
    %reduce_min3A_27 = vector.multi_reduction <minimumf>, %select_n3A, %reduce_min3A_26 [1] : vector<1024x512xf32> to vector<1024xf32>
    %broadcast_in_dim3A_28 = vector.shape_cast %reduce_min3A_27 : vector<1024xf32> to vector<1024x1xf32>
    %convert_element_type3A_29 = arith.fptosi %broadcast_in_dim3A_28 : vector<1024x1xf32> to vector<1024x1xi32>
    %add3A_30 = arith.constant 0 : i32
    %add3A_31 = vector.broadcast %add3A_30 : i32 to vector<1024x1xi32>
    %add3A_32 = arith.addi %convert_element_type3A_29, %add3A_31 : vector<1024x1xi32>
    %get3A_33 = arith.constant 1024 : index
    %get3A_34 = arith.constant 0 : index
    %get3A_35 = vector.load %arg4[%get3A_33, %get3A_34] : memref<8192x256xf32, #tpu.memory_space<vmem>>, vector<512x256xf32>
    %dot_general3A_36 = arith.constant dense<0.000000e+00> : vector<1024x512xf32>
    %dot_general3A_37 = tpu.matmul %transpose3A, %get3A_35, %dot_general3A_36 {dimension_numbers = #tpu.dot_dimension_numbers<[1], [1], [0], [0], [0, 0, 1, 0], [], []>, transpose_lhs_hint = false} : vector<1024x256xf32>, vector<512x256xf32>, vector<1024x512xf32> -> vector<1024x512xf32>
    %mul3A_38 = arith.constant 2.000000e+00 : f32
    %mul3A_39 = vector.broadcast %mul3A_38 : f32 to vector<1024x512xf32>
    %mul3A_40 = arith.mulf %mul3A_39, %dot_general3A_15 : vector<1024x512xf32>
    %sub3A_41 = vector.broadcast %get3A_6 : vector<1024x1xf32> to vector<1024x512xf32>
    %sub3A_42 = arith.subf %sub3A_41, %mul3A_40 : vector<1024x512xf32>
    %get3A_43 = arith.constant 0 : index
    %get3A_44 = arith.constant 512 : index
    %get3A_45 = vector.load %arg3[%get3A_43, %get3A_44] : memref<1x8192xf32, #tpu.memory_space<vmem>>, vector<1x512xf32>
    %add3A_46 = vector.broadcast %get3A_45 : vector<1x512xf32> to vector<1024x512xf32>
    %add3A_47 = arith.addf %sub3A_42, %add3A_46 : vector<1024x512xf32>
    %reduce_min3A_48 = arith.constant dense<0x7F800000> : vector<1024xf32>
    %reduce_min3A_49 = vector.multi_reduction <minimumf>, %add3A_47, %reduce_min3A_48 [1] : vector<1024x512xf32> to vector<1024xf32>
    %broadcast_in_dim3A_50 = vector.shape_cast %reduce_min3A_49 : vector<1024xf32> to vector<1024x1xf32>
    %eq3A_51 = vector.broadcast %broadcast_in_dim3A_50 : vector<1024x1xf32> to vector<1024x512xf32>
    %eq3A_52 = arith.cmpf oeq, %add3A_47, %eq3A_51 : vector<1024x512xf32>
    %jit3A_53 = arith.constant 1.000000e+30 : f32
    %broadcast_in_dim3A_54 = vector.broadcast %jit3A_53 : f32 to vector<1024x512xf32>
    %select_n3A_55 = arith.select %eq3A_52, %convert_element_type3A, %broadcast_in_dim3A_54 : vector<1024x512xi1>, vector<1024x512xf32>
    %reduce_min3A_56 = arith.constant dense<0x7F800000> : vector<1024xf32>
    %reduce_min3A_57 = vector.multi_reduction <minimumf>, %select_n3A_55, %reduce_min3A_56 [1] : vector<1024x512xf32> to vector<1024xf32>
    %broadcast_in_dim3A_58 = vector.shape_cast %reduce_min3A_57 : vector<1024xf32> to vector<1024x1xf32>
    %convert_element_type3A_59 = arith.fptosi %broadcast_in_dim3A_58 : vector<1024x1xf32> to vector<1024x1xi32>
    %add3A_60 = arith.constant 512 : i32
    %add3A_61 = vector.broadcast %add3A_60 : i32 to vector<1024x1xi32>
    %add3A_62 = arith.addi %convert_element_type3A_59, %add3A_61 : vector<1024x1xi32>
    %lt3A = arith.cmpf olt, %broadcast_in_dim3A_50, %broadcast_in_dim3A : vector<1024x1xf32>
    %select_n3A_63 = arith.select %lt3A, %add3A_62, %add3A_32 : vector<1024x1xi1>, vector<1024x1xi32>
    %select_n3A_64 = arith.select %lt3A, %broadcast_in_dim3A_50, %broadcast_in_dim3A : vector<1024x1xi1>, vector<1024x1xf32>
    %get3A_65 = arith.constant 1536 : index
    %get3A_66 = arith.constant 0 : index
    %get3A_67 = vector.load %arg4[%get3A_65, %get3A_66] : memref<8192x256xf32, #tpu.memory_space<vmem>>, vector<512x256xf32>
    %dot_general3A_68 = arith.constant dense<0.000000e+00> : vector<1024x512xf32>
    %dot_general3A_69 = tpu.matmul %transpose3A, %get3A_67, %dot_general3A_68 {dimension_numbers = #tpu.dot_dimension_numbers<[1], [1], [0], [0], [0, 0, 1, 0], [], []>, transpose_lhs_hint = false} : vector<1024x256xf32>, vector<512x256xf32>, vector<1024x512xf32> -> vector<1024x512xf32>
    %mul3A_70 = arith.constant 2.000000e+00 : f32
    %mul3A_71 = vector.broadcast %mul3A_70 : f32 to vector<1024x512xf32>
    %mul3A_72 = arith.mulf %mul3A_71, %dot_general3A_37 : vector<1024x512xf32>
    %sub3A_73 = vector.broadcast %get3A_6 : vector<1024x1xf32> to vector<1024x512xf32>
    %sub3A_74 = arith.subf %sub3A_73, %mul3A_72 : vector<1024x512xf32>
    %get3A_75 = arith.constant 0 : index
    %get3A_76 = arith.constant 1024 : index
    %get3A_77 = vector.load %arg3[%get3A_75, %get3A_76] : memref<1x8192xf32, #tpu.memory_space<vmem>>, vector<1x512xf32>
    %add3A_78 = vector.broadcast %get3A_77 : vector<1x512xf32> to vector<1024x512xf32>
    %add3A_79 = arith.addf %sub3A_74, %add3A_78 : vector<1024x512xf32>
    %reduce_min3A_80 = arith.constant dense<0x7F800000> : vector<1024xf32>
    %reduce_min3A_81 = vector.multi_reduction <minimumf>, %add3A_79, %reduce_min3A_80 [1] : vector<1024x512xf32> to vector<1024xf32>
    %broadcast_in_dim3A_82 = vector.shape_cast %reduce_min3A_81 : vector<1024xf32> to vector<1024x1xf32>
    %eq3A_83 = vector.broadcast %broadcast_in_dim3A_82 : vector<1024x1xf32> to vector<1024x512xf32>
    %eq3A_84 = arith.cmpf oeq, %add3A_79, %eq3A_83 : vector<1024x512xf32>
    %jit3A_85 = arith.constant 1.000000e+30 : f32
    %broadcast_in_dim3A_86 = vector.broadcast %jit3A_85 : f32 to vector<1024x512xf32>
    %select_n3A_87 = arith.select %eq3A_84, %convert_element_type3A, %broadcast_in_dim3A_86 : vector<1024x512xi1>, vector<1024x512xf32>
    %reduce_min3A_88 = arith.constant dense<0x7F800000> : vector<1024xf32>
    %reduce_min3A_89 = vector.multi_reduction <minimumf>, %select_n3A_87, %reduce_min3A_88 [1] : vector<1024x512xf32> to vector<1024xf32>
    %broadcast_in_dim3A_90 = vector.shape_cast %reduce_min3A_89 : vector<1024xf32> to vector<1024x1xf32>
    %convert_element_type3A_91 = arith.fptosi %broadcast_in_dim3A_90 : vector<1024x1xf32> to vector<1024x1xi32>
    %add3A_92 = arith.constant 1024 : i32
    %add3A_93 = vector.broadcast %add3A_92 : i32 to vector<1024x1xi32>
    %add3A_94 = arith.addi %convert_element_type3A_91, %add3A_93 : vector<1024x1xi32>
    %lt3A_95 = arith.cmpf olt, %broadcast_in_dim3A_82, %select_n3A_64 : vector<1024x1xf32>
    %select_n3A_96 = arith.select %lt3A_95, %add3A_94, %select_n3A_63 : vector<1024x1xi1>, vector<1024x1xi32>
    %select_n3A_97 = arith.select %lt3A_95, %broadcast_in_dim3A_82, %select_n3A_64 : vector<1024x1xi1>, vector<1024x1xf32>
    %get3A_98 = arith.constant 2048 : index
    %get3A_99 = arith.constant 0 : index
    %get3A_100 = vector.load %arg4[%get3A_98, %get3A_99] : memref<8192x256xf32, #tpu.memory_space<vmem>>, vector<512x256xf32>
    %dot_general3A_101 = arith.constant dense<0.000000e+00> : vector<1024x512xf32>
    %dot_general3A_102 = tpu.matmul %transpose3A, %get3A_100, %dot_general3A_101 {dimension_numbers = #tpu.dot_dimension_numbers<[1], [1], [0], [0], [0, 0, 1, 0], [], []>, transpose_lhs_hint = false} : vector<1024x256xf32>, vector<512x256xf32>, vector<1024x512xf32> -> vector<1024x512xf32>
    %mul3A_103 = arith.constant 2.000000e+00 : f32
    %mul3A_104 = vector.broadcast %mul3A_103 : f32 to vector<1024x512xf32>
    %mul3A_105 = arith.mulf %mul3A_104, %dot_general3A_69 : vector<1024x512xf32>
    %sub3A_106 = vector.broadcast %get3A_6 : vector<1024x1xf32> to vector<1024x512xf32>
    %sub3A_107 = arith.subf %sub3A_106, %mul3A_105 : vector<1024x512xf32>
    %get3A_108 = arith.constant 0 : index
    %get3A_109 = arith.constant 1536 : index
    %get3A_110 = vector.load %arg3[%get3A_108, %get3A_109] : memref<1x8192xf32, #tpu.memory_space<vmem>>, vector<1x512xf32>
    %add3A_111 = vector.broadcast %get3A_110 : vector<1x512xf32> to vector<1024x512xf32>
    %add3A_112 = arith.addf %sub3A_107, %add3A_111 : vector<1024x512xf32>
    %reduce_min3A_113 = arith.constant dense<0x7F800000> : vector<1024xf32>
    %reduce_min3A_114 = vector.multi_reduction <minimumf>, %add3A_112, %reduce_min3A_113 [1] : vector<1024x512xf32> to vector<1024xf32>
    %broadcast_in_dim3A_115 = vector.shape_cast %reduce_min3A_114 : vector<1024xf32> to vector<1024x1xf32>
    %eq3A_116 = vector.broadcast %broadcast_in_dim3A_115 : vector<1024x1xf32> to vector<1024x512xf32>
    %eq3A_117 = arith.cmpf oeq, %add3A_112, %eq3A_116 : vector<1024x512xf32>
    %jit3A_118 = arith.constant 1.000000e+30 : f32
    %broadcast_in_dim3A_119 = vector.broadcast %jit3A_118 : f32 to vector<1024x512xf32>
    %select_n3A_120 = arith.select %eq3A_117, %convert_element_type3A, %broadcast_in_dim3A_119 : vector<1024x512xi1>, vector<1024x512xf32>
    %reduce_min3A_121 = arith.constant dense<0x7F800000> : vector<1024xf32>
    %reduce_min3A_122 = vector.multi_reduction <minimumf>, %select_n3A_120, %reduce_min3A_121 [1] : vector<1024x512xf32> to vector<1024xf32>
    %broadcast_in_dim3A_123 = vector.shape_cast %reduce_min3A_122 : vector<1024xf32> to vector<1024x1xf32>
    %convert_element_type3A_124 = arith.fptosi %broadcast_in_dim3A_123 : vector<1024x1xf32> to vector<1024x1xi32>
    %add3A_125 = arith.constant 1536 : i32
    %add3A_126 = vector.broadcast %add3A_125 : i32 to vector<1024x1xi32>
    %add3A_127 = arith.addi %convert_element_type3A_124, %add3A_126 : vector<1024x1xi32>
    %lt3A_128 = arith.cmpf olt, %broadcast_in_dim3A_115, %select_n3A_97 : vector<1024x1xf32>
    %select_n3A_129 = arith.select %lt3A_128, %add3A_127, %select_n3A_96 : vector<1024x1xi1>, vector<1024x1xi32>
    %select_n3A_130 = arith.select %lt3A_128, %broadcast_in_dim3A_115, %select_n3A_97 : vector<1024x1xi1>, vector<1024x1xf32>
    %get3A_131 = arith.constant 2560 : index
    %get3A_132 = arith.constant 0 : index
    %get3A_133 = vector.load %arg4[%get3A_131, %get3A_132] : memref<8192x256xf32, #tpu.memory_space<vmem>>, vector<512x256xf32>
    %dot_general3A_134 = arith.constant dense<0.000000e+00> : vector<1024x512xf32>
    %dot_general3A_135 = tpu.matmul %transpose3A, %get3A_133, %dot_general3A_134 {dimension_numbers = #tpu.dot_dimension_numbers<[1], [1], [0], [0], [0, 0, 1, 0], [], []>, transpose_lhs_hint = false} : vector<1024x256xf32>, vector<512x256xf32>, vector<1024x512xf32> -> vector<1024x512xf32>
    %mul3A_136 = arith.constant 2.000000e+00 : f32
    %mul3A_137 = vector.broadcast %mul3A_136 : f32 to vector<1024x512xf32>
    %mul3A_138 = arith.mulf %mul3A_137, %dot_general3A_102 : vector<1024x512xf32>
    %sub3A_139 = vector.broadcast %get3A_6 : vector<1024x1xf32> to vector<1024x512xf32>
    %sub3A_140 = arith.subf %sub3A_139, %mul3A_138 : vector<1024x512xf32>
    %get3A_141 = arith.constant 0 : index
    %get3A_142 = arith.constant 2048 : index
    %get3A_143 = vector.load %arg3[%get3A_141, %get3A_142] : memref<1x8192xf32, #tpu.memory_space<vmem>>, vector<1x512xf32>
    %add3A_144 = vector.broadcast %get3A_143 : vector<1x512xf32> to vector<1024x512xf32>
    %add3A_145 = arith.addf %sub3A_140, %add3A_144 : vector<1024x512xf32>
    %reduce_min3A_146 = arith.constant dense<0x7F800000> : vector<1024xf32>
    %reduce_min3A_147 = vector.multi_reduction <minimumf>, %add3A_145, %reduce_min3A_146 [1] : vector<1024x512xf32> to vector<1024xf32>
    %broadcast_in_dim3A_148 = vector.shape_cast %reduce_min3A_147 : vector<1024xf32> to vector<1024x1xf32>
    %eq3A_149 = vector.broadcast %broadcast_in_dim3A_148 : vector<1024x1xf32> to vector<1024x512xf32>
    %eq3A_150 = arith.cmpf oeq, %add3A_145, %eq3A_149 : vector<1024x512xf32>
    %jit3A_151 = arith.constant 1.000000e+30 : f32
    %broadcast_in_dim3A_152 = vector.broadcast %jit3A_151 : f32 to vector<1024x512xf32>
    %select_n3A_153 = arith.select %eq3A_150, %convert_element_type3A, %broadcast_in_dim3A_152 : vector<1024x512xi1>, vector<1024x512xf32>
    %reduce_min3A_154 = arith.constant dense<0x7F800000> : vector<1024xf32>
    %reduce_min3A_155 = vector.multi_reduction <minimumf>, %select_n3A_153, %reduce_min3A_154 [1] : vector<1024x512xf32> to vector<1024xf32>
    %broadcast_in_dim3A_156 = vector.shape_cast %reduce_min3A_155 : vector<1024xf32> to vector<1024x1xf32>
    %convert_element_type3A_157 = arith.fptosi %broadcast_in_dim3A_156 : vector<1024x1xf32> to vector<1024x1xi32>
    %add3A_158 = arith.constant 2048 : i32
    %add3A_159 = vector.broadcast %add3A_158 : i32 to vector<1024x1xi32>
    %add3A_160 = arith.addi %convert_element_type3A_157, %add3A_159 : vector<1024x1xi32>
    %lt3A_161 = arith.cmpf olt, %broadcast_in_dim3A_148, %select_n3A_130 : vector<1024x1xf32>
    %select_n3A_162 = arith.select %lt3A_161, %add3A_160, %select_n3A_129 : vector<1024x1xi1>, vector<1024x1xi32>
    %select_n3A_163 = arith.select %lt3A_161, %broadcast_in_dim3A_148, %select_n3A_130 : vector<1024x1xi1>, vector<1024x1xf32>
    %get3A_164 = arith.constant 3072 : index
    %get3A_165 = arith.constant 0 : index
    %get3A_166 = vector.load %arg4[%get3A_164, %get3A_165] : memref<8192x256xf32, #tpu.memory_space<vmem>>, vector<512x256xf32>
    %dot_general3A_167 = arith.constant dense<0.000000e+00> : vector<1024x512xf32>
    %dot_general3A_168 = tpu.matmul %transpose3A, %get3A_166, %dot_general3A_167 {dimension_numbers = #tpu.dot_dimension_numbers<[1], [1], [0], [0], [0, 0, 1, 0], [], []>, transpose_lhs_hint = false} : vector<1024x256xf32>, vector<512x256xf32>, vector<1024x512xf32> -> vector<1024x512xf32>
    %mul3A_169 = arith.constant 2.000000e+00 : f32
    %mul3A_170 = vector.broadcast %mul3A_169 : f32 to vector<1024x512xf32>
    %mul3A_171 = arith.mulf %mul3A_170, %dot_general3A_135 : vector<1024x512xf32>
    %sub3A_172 = vector.broadcast %get3A_6 : vector<1024x1xf32> to vector<1024x512xf32>
    %sub3A_173 = arith.subf %sub3A_172, %mul3A_171 : vector<1024x512xf32>
    %get3A_174 = arith.constant 0 : index
    %get3A_175 = arith.constant 2560 : index
    %get3A_176 = vector.load %arg3[%get3A_174, %get3A_175] : memref<1x8192xf32, #tpu.memory_space<vmem>>, vector<1x512xf32>
    %add3A_177 = vector.broadcast %get3A_176 : vector<1x512xf32> to vector<1024x512xf32>
    %add3A_178 = arith.addf %sub3A_173, %add3A_177 : vector<1024x512xf32>
    %reduce_min3A_179 = arith.constant dense<0x7F800000> : vector<1024xf32>
    %reduce_min3A_180 = vector.multi_reduction <minimumf>, %add3A_178, %reduce_min3A_179 [1] : vector<1024x512xf32> to vector<1024xf32>
    %broadcast_in_dim3A_181 = vector.shape_cast %reduce_min3A_180 : vector<1024xf32> to vector<1024x1xf32>
    %eq3A_182 = vector.broadcast %broadcast_in_dim3A_181 : vector<1024x1xf32> to vector<1024x512xf32>
    %eq3A_183 = arith.cmpf oeq, %add3A_178, %eq3A_182 : vector<1024x512xf32>
    %jit3A_184 = arith.constant 1.000000e+30 : f32
    %broadcast_in_dim3A_185 = vector.broadcast %jit3A_184 : f32 to vector<1024x512xf32>
    %select_n3A_186 = arith.select %eq3A_183, %convert_element_type3A, %broadcast_in_dim3A_185 : vector<1024x512xi1>, vector<1024x512xf32>
    %reduce_min3A_187 = arith.constant dense<0x7F800000> : vector<1024xf32>
    %reduce_min3A_188 = vector.multi_reduction <minimumf>, %select_n3A_186, %reduce_min3A_187 [1] : vector<1024x512xf32> to vector<1024xf32>
    %broadcast_in_dim3A_189 = vector.shape_cast %reduce_min3A_188 : vector<1024xf32> to vector<1024x1xf32>
    %convert_element_type3A_190 = arith.fptosi %broadcast_in_dim3A_189 : vector<1024x1xf32> to vector<1024x1xi32>
    %add3A_191 = arith.constant 2560 : i32
    %add3A_192 = vector.broadcast %add3A_191 : i32 to vector<1024x1xi32>
    %add3A_193 = arith.addi %convert_element_type3A_190, %add3A_192 : vector<1024x1xi32>
    %lt3A_194 = arith.cmpf olt, %broadcast_in_dim3A_181, %select_n3A_163 : vector<1024x1xf32>
    %select_n3A_195 = arith.select %lt3A_194, %add3A_193, %select_n3A_162 : vector<1024x1xi1>, vector<1024x1xi32>
    %select_n3A_196 = arith.select %lt3A_194, %broadcast_in_dim3A_181, %select_n3A_163 : vector<1024x1xi1>, vector<1024x1xf32>
    %get3A_197 = arith.constant 3584 : index
    %get3A_198 = arith.constant 0 : index
    %get3A_199 = vector.load %arg4[%get3A_197, %get3A_198] : memref<8192x256xf32, #tpu.memory_space<vmem>>, vector<512x256xf32>
    %dot_general3A_200 = arith.constant dense<0.000000e+00> : vector<1024x512xf32>
    %dot_general3A_201 = tpu.matmul %transpose3A, %get3A_199, %dot_general3A_200 {dimension_numbers = #tpu.dot_dimension_numbers<[1], [1], [0], [0], [0, 0, 1, 0], [], []>, transpose_lhs_hint = false} : vector<1024x256xf32>, vector<512x256xf32>, vector<1024x512xf32> -> vector<1024x512xf32>
    %mul3A_202 = arith.constant 2.000000e+00 : f32
    %mul3A_203 = vector.broadcast %mul3A_202 : f32 to vector<1024x512xf32>
    %mul3A_204 = arith.mulf %mul3A_203, %dot_general3A_168 : vector<1024x512xf32>
    %sub3A_205 = vector.broadcast %get3A_6 : vector<1024x1xf32> to vector<1024x512xf32>
    %sub3A_206 = arith.subf %sub3A_205, %mul3A_204 : vector<1024x512xf32>
    %get3A_207 = arith.constant 0 : index
    %get3A_208 = arith.constant 3072 : index
    %get3A_209 = vector.load %arg3[%get3A_207, %get3A_208] : memref<1x8192xf32, #tpu.memory_space<vmem>>, vector<1x512xf32>
    %add3A_210 = vector.broadcast %get3A_209 : vector<1x512xf32> to vector<1024x512xf32>
    %add3A_211 = arith.addf %sub3A_206, %add3A_210 : vector<1024x512xf32>
    %reduce_min3A_212 = arith.constant dense<0x7F800000> : vector<1024xf32>
    %reduce_min3A_213 = vector.multi_reduction <minimumf>, %add3A_211, %reduce_min3A_212 [1] : vector<1024x512xf32> to vector<1024xf32>
    %broadcast_in_dim3A_214 = vector.shape_cast %reduce_min3A_213 : vector<1024xf32> to vector<1024x1xf32>
    %eq3A_215 = vector.broadcast %broadcast_in_dim3A_214 : vector<1024x1xf32> to vector<1024x512xf32>
    %eq3A_216 = arith.cmpf oeq, %add3A_211, %eq3A_215 : vector<1024x512xf32>
    %jit3A_217 = arith.constant 1.000000e+30 : f32
    %broadcast_in_dim3A_218 = vector.broadcast %jit3A_217 : f32 to vector<1024x512xf32>
    %select_n3A_219 = arith.select %eq3A_216, %convert_element_type3A, %broadcast_in_dim3A_218 : vector<1024x512xi1>, vector<1024x512xf32>
    %reduce_min3A_220 = arith.constant dense<0x7F800000> : vector<1024xf32>
    %reduce_min3A_221 = vector.multi_reduction <minimumf>, %select_n3A_219, %reduce_min3A_220 [1] : vector<1024x512xf32> to vector<1024xf32>
    %broadcast_in_dim3A_222 = vector.shape_cast %reduce_min3A_221 : vector<1024xf32> to vector<1024x1xf32>
    %convert_element_type3A_223 = arith.fptosi %broadcast_in_dim3A_222 : vector<1024x1xf32> to vector<1024x1xi32>
    %add3A_224 = arith.constant 3072 : i32
    %add3A_225 = vector.broadcast %add3A_224 : i32 to vector<1024x1xi32>
    %add3A_226 = arith.addi %convert_element_type3A_223, %add3A_225 : vector<1024x1xi32>
    %lt3A_227 = arith.cmpf olt, %broadcast_in_dim3A_214, %select_n3A_196 : vector<1024x1xf32>
    %select_n3A_228 = arith.select %lt3A_227, %add3A_226, %select_n3A_195 : vector<1024x1xi1>, vector<1024x1xi32>
    %select_n3A_229 = arith.select %lt3A_227, %broadcast_in_dim3A_214, %select_n3A_196 : vector<1024x1xi1>, vector<1024x1xf32>
    %get3A_230 = arith.constant 4096 : index
    %get3A_231 = arith.constant 0 : index
    %get3A_232 = vector.load %arg4[%get3A_230, %get3A_231] : memref<8192x256xf32, #tpu.memory_space<vmem>>, vector<512x256xf32>
    %dot_general3A_233 = arith.constant dense<0.000000e+00> : vector<1024x512xf32>
    %dot_general3A_234 = tpu.matmul %transpose3A, %get3A_232, %dot_general3A_233 {dimension_numbers = #tpu.dot_dimension_numbers<[1], [1], [0], [0], [0, 0, 1, 0], [], []>, transpose_lhs_hint = false} : vector<1024x256xf32>, vector<512x256xf32>, vector<1024x512xf32> -> vector<1024x512xf32>
    %mul3A_235 = arith.constant 2.000000e+00 : f32
    %mul3A_236 = vector.broadcast %mul3A_235 : f32 to vector<1024x512xf32>
    %mul3A_237 = arith.mulf %mul3A_236, %dot_general3A_201 : vector<1024x512xf32>
    %sub3A_238 = vector.broadcast %get3A_6 : vector<1024x1xf32> to vector<1024x512xf32>
    %sub3A_239 = arith.subf %sub3A_238, %mul3A_237 : vector<1024x512xf32>
    %get3A_240 = arith.constant 0 : index
    %get3A_241 = arith.constant 3584 : index
    %get3A_242 = vector.load %arg3[%get3A_240, %get3A_241] : memref<1x8192xf32, #tpu.memory_space<vmem>>, vector<1x512xf32>
    %add3A_243 = vector.broadcast %get3A_242 : vector<1x512xf32> to vector<1024x512xf32>
    %add3A_244 = arith.addf %sub3A_239, %add3A_243 : vector<1024x512xf32>
    %reduce_min3A_245 = arith.constant dense<0x7F800000> : vector<1024xf32>
    %reduce_min3A_246 = vector.multi_reduction <minimumf>, %add3A_244, %reduce_min3A_245 [1] : vector<1024x512xf32> to vector<1024xf32>
    %broadcast_in_dim3A_247 = vector.shape_cast %reduce_min3A_246 : vector<1024xf32> to vector<1024x1xf32>
    %eq3A_248 = vector.broadcast %broadcast_in_dim3A_247 : vector<1024x1xf32> to vector<1024x512xf32>
    %eq3A_249 = arith.cmpf oeq, %add3A_244, %eq3A_248 : vector<1024x512xf32>
    %jit3A_250 = arith.constant 1.000000e+30 : f32
    %broadcast_in_dim3A_251 = vector.broadcast %jit3A_250 : f32 to vector<1024x512xf32>
    %select_n3A_252 = arith.select %eq3A_249, %convert_element_type3A, %broadcast_in_dim3A_251 : vector<1024x512xi1>, vector<1024x512xf32>
    %reduce_min3A_253 = arith.constant dense<0x7F800000> : vector<1024xf32>
    %reduce_min3A_254 = vector.multi_reduction <minimumf>, %select_n3A_252, %reduce_min3A_253 [1] : vector<1024x512xf32> to vector<1024xf32>
    %broadcast_in_dim3A_255 = vector.shape_cast %reduce_min3A_254 : vector<1024xf32> to vector<1024x1xf32>
    %convert_element_type3A_256 = arith.fptosi %broadcast_in_dim3A_255 : vector<1024x1xf32> to vector<1024x1xi32>
    %add3A_257 = arith.constant 3584 : i32
    %add3A_258 = vector.broadcast %add3A_257 : i32 to vector<1024x1xi32>
    %add3A_259 = arith.addi %convert_element_type3A_256, %add3A_258 : vector<1024x1xi32>
    %lt3A_260 = arith.cmpf olt, %broadcast_in_dim3A_247, %select_n3A_229 : vector<1024x1xf32>
    %select_n3A_261 = arith.select %lt3A_260, %add3A_259, %select_n3A_228 : vector<1024x1xi1>, vector<1024x1xi32>
    %select_n3A_262 = arith.select %lt3A_260, %broadcast_in_dim3A_247, %select_n3A_229 : vector<1024x1xi1>, vector<1024x1xf32>
    %get3A_263 = arith.constant 4608 : index
    %get3A_264 = arith.constant 0 : index
    %get3A_265 = vector.load %arg4[%get3A_263, %get3A_264] : memref<8192x256xf32, #tpu.memory_space<vmem>>, vector<512x256xf32>
    %dot_general3A_266 = arith.constant dense<0.000000e+00> : vector<1024x512xf32>
    %dot_general3A_267 = tpu.matmul %transpose3A, %get3A_265, %dot_general3A_266 {dimension_numbers = #tpu.dot_dimension_numbers<[1], [1], [0], [0], [0, 0, 1, 0], [], []>, transpose_lhs_hint = false} : vector<1024x256xf32>, vector<512x256xf32>, vector<1024x512xf32> -> vector<1024x512xf32>
    %mul3A_268 = arith.constant 2.000000e+00 : f32
    %mul3A_269 = vector.broadcast %mul3A_268 : f32 to vector<1024x512xf32>
    %mul3A_270 = arith.mulf %mul3A_269, %dot_general3A_234 : vector<1024x512xf32>
    %sub3A_271 = vector.broadcast %get3A_6 : vector<1024x1xf32> to vector<1024x512xf32>
    %sub3A_272 = arith.subf %sub3A_271, %mul3A_270 : vector<1024x512xf32>
    %get3A_273 = arith.constant 0 : index
    %get3A_274 = arith.constant 4096 : index
    %get3A_275 = vector.load %arg3[%get3A_273, %get3A_274] : memref<1x8192xf32, #tpu.memory_space<vmem>>, vector<1x512xf32>
    %add3A_276 = vector.broadcast %get3A_275 : vector<1x512xf32> to vector<1024x512xf32>
    %add3A_277 = arith.addf %sub3A_272, %add3A_276 : vector<1024x512xf32>
    %reduce_min3A_278 = arith.constant dense<0x7F800000> : vector<1024xf32>
    %reduce_min3A_279 = vector.multi_reduction <minimumf>, %add3A_277, %reduce_min3A_278 [1] : vector<1024x512xf32> to vector<1024xf32>
    %broadcast_in_dim3A_280 = vector.shape_cast %reduce_min3A_279 : vector<1024xf32> to vector<1024x1xf32>
    %eq3A_281 = vector.broadcast %broadcast_in_dim3A_280 : vector<1024x1xf32> to vector<1024x512xf32>
    %eq3A_282 = arith.cmpf oeq, %add3A_277, %eq3A_281 : vector<1024x512xf32>
    %jit3A_283 = arith.constant 1.000000e+30 : f32
    %broadcast_in_dim3A_284 = vector.broadcast %jit3A_283 : f32 to vector<1024x512xf32>
    %select_n3A_285 = arith.select %eq3A_282, %convert_element_type3A, %broadcast_in_dim3A_284 : vector<1024x512xi1>, vector<1024x512xf32>
    %reduce_min3A_286 = arith.constant dense<0x7F800000> : vector<1024xf32>
    %reduce_min3A_287 = vector.multi_reduction <minimumf>, %select_n3A_285, %reduce_min3A_286 [1] : vector<1024x512xf32> to vector<1024xf32>
    %broadcast_in_dim3A_288 = vector.shape_cast %reduce_min3A_287 : vector<1024xf32> to vector<1024x1xf32>
    %convert_element_type3A_289 = arith.fptosi %broadcast_in_dim3A_288 : vector<1024x1xf32> to vector<1024x1xi32>
    %add3A_290 = arith.constant 4096 : i32
    %add3A_291 = vector.broadcast %add3A_290 : i32 to vector<1024x1xi32>
    %add3A_292 = arith.addi %convert_element_type3A_289, %add3A_291 : vector<1024x1xi32>
    %lt3A_293 = arith.cmpf olt, %broadcast_in_dim3A_280, %select_n3A_262 : vector<1024x1xf32>
    %select_n3A_294 = arith.select %lt3A_293, %add3A_292, %select_n3A_261 : vector<1024x1xi1>, vector<1024x1xi32>
    %select_n3A_295 = arith.select %lt3A_293, %broadcast_in_dim3A_280, %select_n3A_262 : vector<1024x1xi1>, vector<1024x1xf32>
    %get3A_296 = arith.constant 5120 : index
    %get3A_297 = arith.constant 0 : index
    %get3A_298 = vector.load %arg4[%get3A_296, %get3A_297] : memref<8192x256xf32, #tpu.memory_space<vmem>>, vector<512x256xf32>
    %dot_general3A_299 = arith.constant dense<0.000000e+00> : vector<1024x512xf32>
    %dot_general3A_300 = tpu.matmul %transpose3A, %get3A_298, %dot_general3A_299 {dimension_numbers = #tpu.dot_dimension_numbers<[1], [1], [0], [0], [0, 0, 1, 0], [], []>, transpose_lhs_hint = false} : vector<1024x256xf32>, vector<512x256xf32>, vector<1024x512xf32> -> vector<1024x512xf32>
    %mul3A_301 = arith.constant 2.000000e+00 : f32
    %mul3A_302 = vector.broadcast %mul3A_301 : f32 to vector<1024x512xf32>
    %mul3A_303 = arith.mulf %mul3A_302, %dot_general3A_267 : vector<1024x512xf32>
    %sub3A_304 = vector.broadcast %get3A_6 : vector<1024x1xf32> to vector<1024x512xf32>
    %sub3A_305 = arith.subf %sub3A_304, %mul3A_303 : vector<1024x512xf32>
    %get3A_306 = arith.constant 0 : index
    %get3A_307 = arith.constant 4608 : index
    %get3A_308 = vector.load %arg3[%get3A_306, %get3A_307] : memref<1x8192xf32, #tpu.memory_space<vmem>>, vector<1x512xf32>
    %add3A_309 = vector.broadcast %get3A_308 : vector<1x512xf32> to vector<1024x512xf32>
    %add3A_310 = arith.addf %sub3A_305, %add3A_309 : vector<1024x512xf32>
    %reduce_min3A_311 = arith.constant dense<0x7F800000> : vector<1024xf32>
    %reduce_min3A_312 = vector.multi_reduction <minimumf>, %add3A_310, %reduce_min3A_311 [1] : vector<1024x512xf32> to vector<1024xf32>
    %broadcast_in_dim3A_313 = vector.shape_cast %reduce_min3A_312 : vector<1024xf32> to vector<1024x1xf32>
    %eq3A_314 = vector.broadcast %broadcast_in_dim3A_313 : vector<1024x1xf32> to vector<1024x512xf32>
    %eq3A_315 = arith.cmpf oeq, %add3A_310, %eq3A_314 : vector<1024x512xf32>
    %jit3A_316 = arith.constant 1.000000e+30 : f32
    %broadcast_in_dim3A_317 = vector.broadcast %jit3A_316 : f32 to vector<1024x512xf32>
    %select_n3A_318 = arith.select %eq3A_315, %convert_element_type3A, %broadcast_in_dim3A_317 : vector<1024x512xi1>, vector<1024x512xf32>
    %reduce_min3A_319 = arith.constant dense<0x7F800000> : vector<1024xf32>
    %reduce_min3A_320 = vector.multi_reduction <minimumf>, %select_n3A_318, %reduce_min3A_319 [1] : vector<1024x512xf32> to vector<1024xf32>
    %broadcast_in_dim3A_321 = vector.shape_cast %reduce_min3A_320 : vector<1024xf32> to vector<1024x1xf32>
    %convert_element_type3A_322 = arith.fptosi %broadcast_in_dim3A_321 : vector<1024x1xf32> to vector<1024x1xi32>
    %add3A_323 = arith.constant 4608 : i32
    %add3A_324 = vector.broadcast %add3A_323 : i32 to vector<1024x1xi32>
    %add3A_325 = arith.addi %convert_element_type3A_322, %add3A_324 : vector<1024x1xi32>
    %lt3A_326 = arith.cmpf olt, %broadcast_in_dim3A_313, %select_n3A_295 : vector<1024x1xf32>
    %select_n3A_327 = arith.select %lt3A_326, %add3A_325, %select_n3A_294 : vector<1024x1xi1>, vector<1024x1xi32>
    %select_n3A_328 = arith.select %lt3A_326, %broadcast_in_dim3A_313, %select_n3A_295 : vector<1024x1xi1>, vector<1024x1xf32>
    %get3A_329 = arith.constant 5632 : index
    %get3A_330 = arith.constant 0 : index
    %get3A_331 = vector.load %arg4[%get3A_329, %get3A_330] : memref<8192x256xf32, #tpu.memory_space<vmem>>, vector<512x256xf32>
    %dot_general3A_332 = arith.constant dense<0.000000e+00> : vector<1024x512xf32>
    %dot_general3A_333 = tpu.matmul %transpose3A, %get3A_331, %dot_general3A_332 {dimension_numbers = #tpu.dot_dimension_numbers<[1], [1], [0], [0], [0, 0, 1, 0], [], []>, transpose_lhs_hint = false} : vector<1024x256xf32>, vector<512x256xf32>, vector<1024x512xf32> -> vector<1024x512xf32>
    %mul3A_334 = arith.constant 2.000000e+00 : f32
    %mul3A_335 = vector.broadcast %mul3A_334 : f32 to vector<1024x512xf32>
    %mul3A_336 = arith.mulf %mul3A_335, %dot_general3A_300 : vector<1024x512xf32>
    %sub3A_337 = vector.broadcast %get3A_6 : vector<1024x1xf32> to vector<1024x512xf32>
    %sub3A_338 = arith.subf %sub3A_337, %mul3A_336 : vector<1024x512xf32>
    %get3A_339 = arith.constant 0 : index
    %get3A_340 = arith.constant 5120 : index
    %get3A_341 = vector.load %arg3[%get3A_339, %get3A_340] : memref<1x8192xf32, #tpu.memory_space<vmem>>, vector<1x512xf32>
    %add3A_342 = vector.broadcast %get3A_341 : vector<1x512xf32> to vector<1024x512xf32>
    %add3A_343 = arith.addf %sub3A_338, %add3A_342 : vector<1024x512xf32>
    %reduce_min3A_344 = arith.constant dense<0x7F800000> : vector<1024xf32>
    %reduce_min3A_345 = vector.multi_reduction <minimumf>, %add3A_343, %reduce_min3A_344 [1] : vector<1024x512xf32> to vector<1024xf32>
    %broadcast_in_dim3A_346 = vector.shape_cast %reduce_min3A_345 : vector<1024xf32> to vector<1024x1xf32>
    %eq3A_347 = vector.broadcast %broadcast_in_dim3A_346 : vector<1024x1xf32> to vector<1024x512xf32>
    %eq3A_348 = arith.cmpf oeq, %add3A_343, %eq3A_347 : vector<1024x512xf32>
    %jit3A_349 = arith.constant 1.000000e+30 : f32
    %broadcast_in_dim3A_350 = vector.broadcast %jit3A_349 : f32 to vector<1024x512xf32>
    %select_n3A_351 = arith.select %eq3A_348, %convert_element_type3A, %broadcast_in_dim3A_350 : vector<1024x512xi1>, vector<1024x512xf32>
    %reduce_min3A_352 = arith.constant dense<0x7F800000> : vector<1024xf32>
    %reduce_min3A_353 = vector.multi_reduction <minimumf>, %select_n3A_351, %reduce_min3A_352 [1] : vector<1024x512xf32> to vector<1024xf32>
    %broadcast_in_dim3A_354 = vector.shape_cast %reduce_min3A_353 : vector<1024xf32> to vector<1024x1xf32>
    %convert_element_type3A_355 = arith.fptosi %broadcast_in_dim3A_354 : vector<1024x1xf32> to vector<1024x1xi32>
    %add3A_356 = arith.constant 5120 : i32
    %add3A_357 = vector.broadcast %add3A_356 : i32 to vector<1024x1xi32>
    %add3A_358 = arith.addi %convert_element_type3A_355, %add3A_357 : vector<1024x1xi32>
    %lt3A_359 = arith.cmpf olt, %broadcast_in_dim3A_346, %select_n3A_328 : vector<1024x1xf32>
    %select_n3A_360 = arith.select %lt3A_359, %add3A_358, %select_n3A_327 : vector<1024x1xi1>, vector<1024x1xi32>
    %select_n3A_361 = arith.select %lt3A_359, %broadcast_in_dim3A_346, %select_n3A_328 : vector<1024x1xi1>, vector<1024x1xf32>
    %get3A_362 = arith.constant 6144 : index
    %get3A_363 = arith.constant 0 : index
    %get3A_364 = vector.load %arg4[%get3A_362, %get3A_363] : memref<8192x256xf32, #tpu.memory_space<vmem>>, vector<512x256xf32>
    %dot_general3A_365 = arith.constant dense<0.000000e+00> : vector<1024x512xf32>
    %dot_general3A_366 = tpu.matmul %transpose3A, %get3A_364, %dot_general3A_365 {dimension_numbers = #tpu.dot_dimension_numbers<[1], [1], [0], [0], [0, 0, 1, 0], [], []>, transpose_lhs_hint = false} : vector<1024x256xf32>, vector<512x256xf32>, vector<1024x512xf32> -> vector<1024x512xf32>
    %mul3A_367 = arith.constant 2.000000e+00 : f32
    %mul3A_368 = vector.broadcast %mul3A_367 : f32 to vector<1024x512xf32>
    %mul3A_369 = arith.mulf %mul3A_368, %dot_general3A_333 : vector<1024x512xf32>
    %sub3A_370 = vector.broadcast %get3A_6 : vector<1024x1xf32> to vector<1024x512xf32>
    %sub3A_371 = arith.subf %sub3A_370, %mul3A_369 : vector<1024x512xf32>
    %get3A_372 = arith.constant 0 : index
    %get3A_373 = arith.constant 5632 : index
    %get3A_374 = vector.load %arg3[%get3A_372, %get3A_373] : memref<1x8192xf32, #tpu.memory_space<vmem>>, vector<1x512xf32>
    %add3A_375 = vector.broadcast %get3A_374 : vector<1x512xf32> to vector<1024x512xf32>
    %add3A_376 = arith.addf %sub3A_371, %add3A_375 : vector<1024x512xf32>
    %reduce_min3A_377 = arith.constant dense<0x7F800000> : vector<1024xf32>
    %reduce_min3A_378 = vector.multi_reduction <minimumf>, %add3A_376, %reduce_min3A_377 [1] : vector<1024x512xf32> to vector<1024xf32>
    %broadcast_in_dim3A_379 = vector.shape_cast %reduce_min3A_378 : vector<1024xf32> to vector<1024x1xf32>
    %eq3A_380 = vector.broadcast %broadcast_in_dim3A_379 : vector<1024x1xf32> to vector<1024x512xf32>
    %eq3A_381 = arith.cmpf oeq, %add3A_376, %eq3A_380 : vector<1024x512xf32>
    %jit3A_382 = arith.constant 1.000000e+30 : f32
    %broadcast_in_dim3A_383 = vector.broadcast %jit3A_382 : f32 to vector<1024x512xf32>
    %select_n3A_384 = arith.select %eq3A_381, %convert_element_type3A, %broadcast_in_dim3A_383 : vector<1024x512xi1>, vector<1024x512xf32>
    %reduce_min3A_385 = arith.constant dense<0x7F800000> : vector<1024xf32>
    %reduce_min3A_386 = vector.multi_reduction <minimumf>, %select_n3A_384, %reduce_min3A_385 [1] : vector<1024x512xf32> to vector<1024xf32>
    %broadcast_in_dim3A_387 = vector.shape_cast %reduce_min3A_386 : vector<1024xf32> to vector<1024x1xf32>
    %convert_element_type3A_388 = arith.fptosi %broadcast_in_dim3A_387 : vector<1024x1xf32> to vector<1024x1xi32>
    %add3A_389 = arith.constant 5632 : i32
    %add3A_390 = vector.broadcast %add3A_389 : i32 to vector<1024x1xi32>
    %add3A_391 = arith.addi %convert_element_type3A_388, %add3A_390 : vector<1024x1xi32>
    %lt3A_392 = arith.cmpf olt, %broadcast_in_dim3A_379, %select_n3A_361 : vector<1024x1xf32>
    %select_n3A_393 = arith.select %lt3A_392, %add3A_391, %select_n3A_360 : vector<1024x1xi1>, vector<1024x1xi32>
    %select_n3A_394 = arith.select %lt3A_392, %broadcast_in_dim3A_379, %select_n3A_361 : vector<1024x1xi1>, vector<1024x1xf32>
    %get3A_395 = arith.constant 6656 : index
    %get3A_396 = arith.constant 0 : index
    %get3A_397 = vector.load %arg4[%get3A_395, %get3A_396] : memref<8192x256xf32, #tpu.memory_space<vmem>>, vector<512x256xf32>
    %dot_general3A_398 = arith.constant dense<0.000000e+00> : vector<1024x512xf32>
    %dot_general3A_399 = tpu.matmul %transpose3A, %get3A_397, %dot_general3A_398 {dimension_numbers = #tpu.dot_dimension_numbers<[1], [1], [0], [0], [0, 0, 1, 0], [], []>, transpose_lhs_hint = false} : vector<1024x256xf32>, vector<512x256xf32>, vector<1024x512xf32> -> vector<1024x512xf32>
    %mul3A_400 = arith.constant 2.000000e+00 : f32
    %mul3A_401 = vector.broadcast %mul3A_400 : f32 to vector<1024x512xf32>
    %mul3A_402 = arith.mulf %mul3A_401, %dot_general3A_366 : vector<1024x512xf32>
    %sub3A_403 = vector.broadcast %get3A_6 : vector<1024x1xf32> to vector<1024x512xf32>
    %sub3A_404 = arith.subf %sub3A_403, %mul3A_402 : vector<1024x512xf32>
    %get3A_405 = arith.constant 0 : index
    %get3A_406 = arith.constant 6144 : index
    %get3A_407 = vector.load %arg3[%get3A_405, %get3A_406] : memref<1x8192xf32, #tpu.memory_space<vmem>>, vector<1x512xf32>
    %add3A_408 = vector.broadcast %get3A_407 : vector<1x512xf32> to vector<1024x512xf32>
    %add3A_409 = arith.addf %sub3A_404, %add3A_408 : vector<1024x512xf32>
    %reduce_min3A_410 = arith.constant dense<0x7F800000> : vector<1024xf32>
    %reduce_min3A_411 = vector.multi_reduction <minimumf>, %add3A_409, %reduce_min3A_410 [1] : vector<1024x512xf32> to vector<1024xf32>
    %broadcast_in_dim3A_412 = vector.shape_cast %reduce_min3A_411 : vector<1024xf32> to vector<1024x1xf32>
    %eq3A_413 = vector.broadcast %broadcast_in_dim3A_412 : vector<1024x1xf32> to vector<1024x512xf32>
    %eq3A_414 = arith.cmpf oeq, %add3A_409, %eq3A_413 : vector<1024x512xf32>
    %jit3A_415 = arith.constant 1.000000e+30 : f32
    %broadcast_in_dim3A_416 = vector.broadcast %jit3A_415 : f32 to vector<1024x512xf32>
    %select_n3A_417 = arith.select %eq3A_414, %convert_element_type3A, %broadcast_in_dim3A_416 : vector<1024x512xi1>, vector<1024x512xf32>
    %reduce_min3A_418 = arith.constant dense<0x7F800000> : vector<1024xf32>
    %reduce_min3A_419 = vector.multi_reduction <minimumf>, %select_n3A_417, %reduce_min3A_418 [1] : vector<1024x512xf32> to vector<1024xf32>
    %broadcast_in_dim3A_420 = vector.shape_cast %reduce_min3A_419 : vector<1024xf32> to vector<1024x1xf32>
    %convert_element_type3A_421 = arith.fptosi %broadcast_in_dim3A_420 : vector<1024x1xf32> to vector<1024x1xi32>
    %add3A_422 = arith.constant 6144 : i32
    %add3A_423 = vector.broadcast %add3A_422 : i32 to vector<1024x1xi32>
    %add3A_424 = arith.addi %convert_element_type3A_421, %add3A_423 : vector<1024x1xi32>
    %lt3A_425 = arith.cmpf olt, %broadcast_in_dim3A_412, %select_n3A_394 : vector<1024x1xf32>
    %select_n3A_426 = arith.select %lt3A_425, %add3A_424, %select_n3A_393 : vector<1024x1xi1>, vector<1024x1xi32>
    %select_n3A_427 = arith.select %lt3A_425, %broadcast_in_dim3A_412, %select_n3A_394 : vector<1024x1xi1>, vector<1024x1xf32>
    %get3A_428 = arith.constant 7168 : index
    %get3A_429 = arith.constant 0 : index
    %get3A_430 = vector.load %arg4[%get3A_428, %get3A_429] : memref<8192x256xf32, #tpu.memory_space<vmem>>, vector<512x256xf32>
    %dot_general3A_431 = arith.constant dense<0.000000e+00> : vector<1024x512xf32>
    %dot_general3A_432 = tpu.matmul %transpose3A, %get3A_430, %dot_general3A_431 {dimension_numbers = #tpu.dot_dimension_numbers<[1], [1], [0], [0], [0, 0, 1, 0], [], []>, transpose_lhs_hint = false} : vector<1024x256xf32>, vector<512x256xf32>, vector<1024x512xf32> -> vector<1024x512xf32>
    %mul3A_433 = arith.constant 2.000000e+00 : f32
    %mul3A_434 = vector.broadcast %mul3A_433 : f32 to vector<1024x512xf32>
    %mul3A_435 = arith.mulf %mul3A_434, %dot_general3A_399 : vector<1024x512xf32>
    %sub3A_436 = vector.broadcast %get3A_6 : vector<1024x1xf32> to vector<1024x512xf32>
    %sub3A_437 = arith.subf %sub3A_436, %mul3A_435 : vector<1024x512xf32>
    %get3A_438 = arith.constant 0 : index
    %get3A_439 = arith.constant 6656 : index
    %get3A_440 = vector.load %arg3[%get3A_438, %get3A_439] : memref<1x8192xf32, #tpu.memory_space<vmem>>, vector<1x512xf32>
    %add3A_441 = vector.broadcast %get3A_440 : vector<1x512xf32> to vector<1024x512xf32>
    %add3A_442 = arith.addf %sub3A_437, %add3A_441 : vector<1024x512xf32>
    %reduce_min3A_443 = arith.constant dense<0x7F800000> : vector<1024xf32>
    %reduce_min3A_444 = vector.multi_reduction <minimumf>, %add3A_442, %reduce_min3A_443 [1] : vector<1024x512xf32> to vector<1024xf32>
    %broadcast_in_dim3A_445 = vector.shape_cast %reduce_min3A_444 : vector<1024xf32> to vector<1024x1xf32>
    %eq3A_446 = vector.broadcast %broadcast_in_dim3A_445 : vector<1024x1xf32> to vector<1024x512xf32>
    %eq3A_447 = arith.cmpf oeq, %add3A_442, %eq3A_446 : vector<1024x512xf32>
    %jit3A_448 = arith.constant 1.000000e+30 : f32
    %broadcast_in_dim3A_449 = vector.broadcast %jit3A_448 : f32 to vector<1024x512xf32>
    %select_n3A_450 = arith.select %eq3A_447, %convert_element_type3A, %broadcast_in_dim3A_449 : vector<1024x512xi1>, vector<1024x512xf32>
    %reduce_min3A_451 = arith.constant dense<0x7F800000> : vector<1024xf32>
    %reduce_min3A_452 = vector.multi_reduction <minimumf>, %select_n3A_450, %reduce_min3A_451 [1] : vector<1024x512xf32> to vector<1024xf32>
    %broadcast_in_dim3A_453 = vector.shape_cast %reduce_min3A_452 : vector<1024xf32> to vector<1024x1xf32>
    %convert_element_type3A_454 = arith.fptosi %broadcast_in_dim3A_453 : vector<1024x1xf32> to vector<1024x1xi32>
    %add3A_455 = arith.constant 6656 : i32
    %add3A_456 = vector.broadcast %add3A_455 : i32 to vector<1024x1xi32>
    %add3A_457 = arith.addi %convert_element_type3A_454, %add3A_456 : vector<1024x1xi32>
    %lt3A_458 = arith.cmpf olt, %broadcast_in_dim3A_445, %select_n3A_427 : vector<1024x1xf32>
    %select_n3A_459 = arith.select %lt3A_458, %add3A_457, %select_n3A_426 : vector<1024x1xi1>, vector<1024x1xi32>
    %select_n3A_460 = arith.select %lt3A_458, %broadcast_in_dim3A_445, %select_n3A_427 : vector<1024x1xi1>, vector<1024x1xf32>
    %get3A_461 = arith.constant 7680 : index
    %get3A_462 = arith.constant 0 : index
    %get3A_463 = vector.load %arg4[%get3A_461, %get3A_462] : memref<8192x256xf32, #tpu.memory_space<vmem>>, vector<512x256xf32>
    %dot_general3A_464 = arith.constant dense<0.000000e+00> : vector<1024x512xf32>
    %dot_general3A_465 = tpu.matmul %transpose3A, %get3A_463, %dot_general3A_464 {dimension_numbers = #tpu.dot_dimension_numbers<[1], [1], [0], [0], [0, 0, 1, 0], [], []>, transpose_lhs_hint = false} : vector<1024x256xf32>, vector<512x256xf32>, vector<1024x512xf32> -> vector<1024x512xf32>
    %mul3A_466 = arith.constant 2.000000e+00 : f32
    %mul3A_467 = vector.broadcast %mul3A_466 : f32 to vector<1024x512xf32>
    %mul3A_468 = arith.mulf %mul3A_467, %dot_general3A_432 : vector<1024x512xf32>
    %sub3A_469 = vector.broadcast %get3A_6 : vector<1024x1xf32> to vector<1024x512xf32>
    %sub3A_470 = arith.subf %sub3A_469, %mul3A_468 : vector<1024x512xf32>
    %get3A_471 = arith.constant 0 : index
    %get3A_472 = arith.constant 7168 : index
    %get3A_473 = vector.load %arg3[%get3A_471, %get3A_472] : memref<1x8192xf32, #tpu.memory_space<vmem>>, vector<1x512xf32>
    %add3A_474 = vector.broadcast %get3A_473 : vector<1x512xf32> to vector<1024x512xf32>
    %add3A_475 = arith.addf %sub3A_470, %add3A_474 : vector<1024x512xf32>
    %reduce_min3A_476 = arith.constant dense<0x7F800000> : vector<1024xf32>
    %reduce_min3A_477 = vector.multi_reduction <minimumf>, %add3A_475, %reduce_min3A_476 [1] : vector<1024x512xf32> to vector<1024xf32>
    %broadcast_in_dim3A_478 = vector.shape_cast %reduce_min3A_477 : vector<1024xf32> to vector<1024x1xf32>
    %eq3A_479 = vector.broadcast %broadcast_in_dim3A_478 : vector<1024x1xf32> to vector<1024x512xf32>
    %eq3A_480 = arith.cmpf oeq, %add3A_475, %eq3A_479 : vector<1024x512xf32>
    %jit3A_481 = arith.constant 1.000000e+30 : f32
    %broadcast_in_dim3A_482 = vector.broadcast %jit3A_481 : f32 to vector<1024x512xf32>
    %select_n3A_483 = arith.select %eq3A_480, %convert_element_type3A, %broadcast_in_dim3A_482 : vector<1024x512xi1>, vector<1024x512xf32>
    %reduce_min3A_484 = arith.constant dense<0x7F800000> : vector<1024xf32>
    %reduce_min3A_485 = vector.multi_reduction <minimumf>, %select_n3A_483, %reduce_min3A_484 [1] : vector<1024x512xf32> to vector<1024xf32>
    %broadcast_in_dim3A_486 = vector.shape_cast %reduce_min3A_485 : vector<1024xf32> to vector<1024x1xf32>
    %convert_element_type3A_487 = arith.fptosi %broadcast_in_dim3A_486 : vector<1024x1xf32> to vector<1024x1xi32>
    %add3A_488 = arith.constant 7168 : i32
    %add3A_489 = vector.broadcast %add3A_488 : i32 to vector<1024x1xi32>
    %add3A_490 = arith.addi %convert_element_type3A_487, %add3A_489 : vector<1024x1xi32>
    %lt3A_491 = arith.cmpf olt, %broadcast_in_dim3A_478, %select_n3A_460 : vector<1024x1xf32>
    %select_n3A_492 = arith.select %lt3A_491, %add3A_490, %select_n3A_459 : vector<1024x1xi1>, vector<1024x1xi32>
    %select_n3A_493 = arith.select %lt3A_491, %broadcast_in_dim3A_478, %select_n3A_460 : vector<1024x1xi1>, vector<1024x1xf32>
    %mul3A_494 = arith.constant 2.000000e+00 : f32
    %mul3A_495 = vector.broadcast %mul3A_494 : f32 to vector<1024x512xf32>
    %mul3A_496 = arith.mulf %mul3A_495, %dot_general3A_465 : vector<1024x512xf32>
    %sub3A_497 = vector.broadcast %get3A_6 : vector<1024x1xf32> to vector<1024x512xf32>
    %sub3A_498 = arith.subf %sub3A_497, %mul3A_496 : vector<1024x512xf32>
    %get3A_499 = arith.constant 0 : index
    %get3A_500 = arith.constant 7680 : index
    %get3A_501 = vector.load %arg3[%get3A_499, %get3A_500] : memref<1x8192xf32, #tpu.memory_space<vmem>>, vector<1x512xf32>
    %add3A_502 = vector.broadcast %get3A_501 : vector<1x512xf32> to vector<1024x512xf32>
    %add3A_503 = arith.addf %sub3A_498, %add3A_502 : vector<1024x512xf32>
    %reduce_min3A_504 = arith.constant dense<0x7F800000> : vector<1024xf32>
    %reduce_min3A_505 = vector.multi_reduction <minimumf>, %add3A_503, %reduce_min3A_504 [1] : vector<1024x512xf32> to vector<1024xf32>
    %broadcast_in_dim3A_506 = vector.shape_cast %reduce_min3A_505 : vector<1024xf32> to vector<1024x1xf32>
    %eq3A_507 = vector.broadcast %broadcast_in_dim3A_506 : vector<1024x1xf32> to vector<1024x512xf32>
    %eq3A_508 = arith.cmpf oeq, %add3A_503, %eq3A_507 : vector<1024x512xf32>
    %jit3A_509 = arith.constant 1.000000e+30 : f32
    %broadcast_in_dim3A_510 = vector.broadcast %jit3A_509 : f32 to vector<1024x512xf32>
    %select_n3A_511 = arith.select %eq3A_508, %convert_element_type3A, %broadcast_in_dim3A_510 : vector<1024x512xi1>, vector<1024x512xf32>
    %reduce_min3A_512 = arith.constant dense<0x7F800000> : vector<1024xf32>
    %reduce_min3A_513 = vector.multi_reduction <minimumf>, %select_n3A_511, %reduce_min3A_512 [1] : vector<1024x512xf32> to vector<1024xf32>
    %broadcast_in_dim3A_514 = vector.shape_cast %reduce_min3A_513 : vector<1024xf32> to vector<1024x1xf32>
    %convert_element_type3A_515 = arith.fptosi %broadcast_in_dim3A_514 : vector<1024x1xf32> to vector<1024x1xi32>
    %add3A_516 = arith.constant 7680 : i32
    %add3A_517 = vector.broadcast %add3A_516 : i32 to vector<1024x1xi32>
    %add3A_518 = arith.addi %convert_element_type3A_515, %add3A_517 : vector<1024x1xi32>
    %lt3A_519 = arith.cmpf olt, %broadcast_in_dim3A_506, %select_n3A_493 : vector<1024x1xf32>
    %select_n3A_520 = arith.select %lt3A_519, %add3A_518, %select_n3A_492 : vector<1024x1xi1>, vector<1024x1xi32>
    %swap3A = arith.constant 0 : index
    %swap3A_521 = arith.constant 0 : index
    %swap3A_522 = vector.load %arg5[%swap3A, %swap3A_521] : memref<1024x1xi32, #tpu.memory_space<vmem>>, vector<1024x1xi32>
    tpu.vector_store %arg5[%swap3A, %swap3A_521], %select_n3A_520 {strides = array<i32>} : memref<1024x1xi32, #tpu.memory_space<vmem>>, vector<1024x1xi32>,
    return
  }
  func.func @transform_0(%arg0: i32) -> (i32, i32, i32) {
    %c0_i32 = arith.constant 0 : i32
    %c0_i32_0 = arith.constant 0 : i32
    %c0_i32_1 = arith.constant 0 : i32
    return %arg0, %c0_i32, %c0_i32_0 : i32, i32, i32
  }
  func.func @transform_1(%arg0: i32) -> (i32, i32) {
    %c0_i32 = arith.constant 0 : i32
    %c0_i32_0 = arith.constant 0 : i32
    return %arg0, %c0_i32 : i32, i32
  }
  func.func @transform_2(%arg0: i32) -> (i32, i32) {
    %c0_i32 = arith.constant 0 : i32
    %c0_i32_0 = arith.constant 0 : i32
    %c0_i32_1 = arith.constant 0 : i32
    return %c0_i32, %c0_i32_0 : i32, i32
  }
  func.func @transform_3(%arg0: i32) -> (i32, i32) {
    %c0_i32 = arith.constant 0 : i32
    %c0_i32_0 = arith.constant 0 : i32
    %c0_i32_1 = arith.constant 0 : i32
    return %c0_i32, %c0_i32_0 : i32, i32
  }
  func.func @transform_4(%arg0: i32) -> (i32, i32) {
    %c0_i32 = arith.constant 0 : i32
    %c0_i32_0 = arith.constant 0 : i32
    return %arg0, %c0_i32 : i32, i32
  }
}

module attributes {stable_mosaic.version = 14 : i64} {
  func.func @_transpose_body(%arg0: i32, %arg1: memref<1x1024x256xf32, #tpu.memory_space<vmem>>, %arg2: memref<1x256x1024xf32, #tpu.memory_space<vmem>>) attributes {dimension_semantics = [#tpu.dimension_semantics<arbitrary>], iteration_bounds = array<i64: 8>, scalar_prefetch = 0 : i64, scratch_operands = 0 : i64, tpu.core_type = #tpu.core_type<tc>, window_params = [{transform_indices = @transform_0, window_bounds = array<i64: 1, 1024, 256>}, {transform_indices = @transform_1, window_bounds = array<i64: 1, 256, 1024>}]} {
    %get3A = arith.constant 0 : index
    %get3A_0 = arith.constant 0 : index
    %get3A_1 = arith.constant 0 : index
    %get3A_2 = vector.load %arg1[%get3A, %get3A_0, %get3A_1] : memref<1x1024x256xf32, #tpu.memory_space<vmem>>, vector<1x1024x256xf32>
    %get3A_3 = vector.shape_cast %get3A_2 : vector<1x1024x256xf32> to vector<1024x256xf32>
    %transpose3A = tpu.transpose %get3A_3, [1, 0] : vector<1024x256xf32> -> vector<256x1024xf32>
    %swap3A = arith.constant 0 : index
    %swap3A_4 = arith.constant 0 : index
    %swap3A_5 = arith.constant 0 : index
    %swap3A_6 = vector.load %arg2[%swap3A, %swap3A_4, %swap3A_5] : memref<1x256x1024xf32, #tpu.memory_space<vmem>>, vector<1x256x1024xf32>
    %swap3A_7 = vector.shape_cast %swap3A_6 : vector<1x256x1024xf32> to vector<256x1024xf32>
    %swap3A_8 = vector.shape_cast %transpose3A : vector<256x1024xf32> to vector<1x256x1024xf32>
    tpu.vector_store %arg2[%swap3A, %swap3A_4, %swap3A_5], %swap3A_8 {strides = array<i32>} : memref<1x256x1024xf32, #tpu.memory_space<vmem>>, vector<1x256x1024xf32>,
    return
  }
  func.func @transform_0(%arg0: i32) -> (i32, i32, i32) {
    %c0_i32 = arith.constant 0 : i32
    %c0_i32_0 = arith.constant 0 : i32
    %c0_i32_1 = arith.constant 0 : i32
    return %arg0, %c0_i32, %c0_i32_0 : i32, i32, i32
  }
  func.func @transform_1(%arg0: i32) -> (i32, i32, i32) {
    %c0_i32 = arith.constant 0 : i32
    %c0_i32_0 = arith.constant 0 : i32
    %c0_i32_1 = arith.constant 0 : i32
    return %arg0, %c0_i32, %c0_i32_0 : i32, i32, i32
  }
}

</mosaic_0001>

<sc_bundles>
// kernel: kernel.5.cloned.1.call-start
scs
__scs_entry_jumppad:
0x0: {  	(pc) =	sbr.rel $0x88, $3  }
0x1: {  	(tag) =	ssettag $0x0;
	lr =	simm.s32 $0x1  }
0x2: {  	[smem:$0x3F9F] =	sst lr;
	_ =	strace $0xD0000000  }
0x3: {  	_ = 	snop  }
0x4: {  	_ = 	snop  }
0x5: {  	_ = 	snop  }
0x6: {  	_ = 	snop  }
0x7: {  	_ = 	snop  }
__scs_overlays_trampoline_lowered:
0x8: {  	[smem:$0x3FAE] =	sst s0  }
0x9: {  	[smem:$0x3FAF] =	sst s1  }
0xa: {  	[smem:$0x3FB0] =	sst s2  }
0xb: {  	[smem:$0x3FB1] =	sst s3  }
0xc: {  	[smem:$0x3FB2] =	sst s4  }
0xd: {  	[smem:$0x3FB3] =	sst s5  }
0xe: {  	[smem:$0x3FB4] =	sst s6  }
0xf: {  	[smem:$0x3FB5] =	sst s7  }
0x10: {  	[smem:$0x3FB6] =	sst s8  }
0x11: {  	[smem:$0x3FB7] =	sst s9;
	s0 =	simm.s32 @!p0 $0x0  }
0x12: {  	s1 =	sld [smem:$0x3F9D];
	s0 =	simm.s32 @p0 $0x1  }
0x13: {  	[smem:$0x3FB8] =	sst s0;
	s0 =	simm.s32 @!p1 $0x0  }
0x14: {  	s2 =	sld [smem:$0x3F9C];
	s0 =	simm.s32 @p1 $0x1  }
0x15: {  	[smem:$0x3FB9] =	sst s0;
	s0 =	simm.s32 @!p2 $0x0  }
0x16: {  	s3 =	sld [smem:$0x3FDB];
	s0 =	simm.s32 @p2 $0x1  }
0x17: {  	s4 =	simm.s32 $0x1BF5;
	[smem:$0x3FBB] =	sst s0  }
0x18: {  	s0 =	sld [smem:$0x3F9E];
	_ =	swait.ge [sflag:s4], $0x0  }
0x19: {  	s7 =	sld [smem:$0x3F9F]  }
0x1a: {  	s8 =	sadd.s32 $0xFFFFE003, lr  }
0x1b: {  	s9 =	sadd.s32 $0xFFFFFEF7, lr;
	s5 =	simm.s32 $0xFFFFFFFF;
	p2 =	slt.u32 s8, $0xFFFFF086  }
0x1c: {  	p1 =	slt.u32 s9, $0xF7A;
	s5 =	simm.s32 @!p2 $0x0  }
0x1d: {  	s5 =	simm.s32 @p1 $0x1;
	p0 =	seq.s32 s7, s2  }
0x1e: {  	s7 =	smul.u32 @!p0 $0xF7A, s2;
	p2 =	seq.s32 @!p0 s5, $0x0  }
0x1f: {  	s9 =	smul.u32 $0xF7A, s1;
	s8 =	simm.s32 @!p0 $0x1BF5;
	p2 =	por !p2, p0  }
0x20: {  	[sflag:s8] =	ssyncset.s32 @!p0 $0xFFFFF086;
	s6 =	sadd.s32 @!p0 s3, s7;
	s7 =	simm.s32 @!p0 $0x108  }
0x21: {  	s3 =	sadd.s32 s3, s9;
	s6 =	sadd.s32 @!p0 $0x88, s6;
	s7 =	simm.s32 @p2 $0x1082  }
0x22: {  	[simem:s7], [sflag:s8] =	dma.local @!p0 [hbm:s6], $0xF7A  }
0x23: {  	s9 =	sor.u32 $0xD0000000, s2;
	s6 =	simm.s32 $0x108;
	_ =	swait.ge @!p0 [sflag:s8], $0x0  }
0x24: {  	s3 =	sadd.s32 $0x88, s3;
	s6 =	simm.s32 @!p1 $0x1082;
	[sflag:s4] =	ssyncset.s32 $0xFFFFF086  }
0x25: {  	[simem:s6], [sflag:s4] =	dma.local [hbm:s3], $0xF7A  }
0x26: {  	[smem:$0x3F9F] =	sst s1;
	(tag) =	ssettag s2;
	_ =	strace s9  }
0x27: {  	s1 =	sld [smem:$0x3FAF]  }
0x28: {  	s2 =	sld [smem:$0x3FB0]  }
0x29: {  	s4 =	sld [smem:$0x3FB2]  }
0x2a: {  	p0 =	seq.s32 s5, $0x0;
	s5 =	sld [smem:$0x3FB3]  }
0x2b: {  	s6 =	sld [smem:$0x3FB4]  }
0x2c: {  	s7 =	sld [smem:$0x3FB5]  }
0x2d: {  	s3 =	simm.s32 $0x108;
	s8 =	sld [smem:$0x3FB6]  }
0x2e: {  	s3 =	simm.s32 @!p0 $0x1082;
	s9 =	sld [smem:$0x3FB7]  }
0x2f: {  	lr =	sadd.s32 s0, s3;
	s0 =	sld [smem:$0x3FAE]  }
0x30: {  	s3 =	sld [smem:$0x3FB1]  }
0x31: {  	[smem:$0x3FBA] =	sst s10  }
0x32: {  	s10 =	sld [smem:$0x3FB8];
	_ =	sdelay $0x3  }
0x33: {  	p0 =	seq.s32 s10, $0x1;
	s10 =	sld [smem:$0x3FBA];
	_ =	sdelay $0x3  }
0x34: {  	[smem:$0x3FBA] =	sst s10  }
0x35: {  	s10 =	sld [smem:$0x3FB9];
	_ =	sdelay $0x3  }
0x36: {  	p1 =	seq.s32 s10, $0x1;
	s10 =	sld [smem:$0x3FBA];
	_ =	sdelay $0x3  }
0x37: {  	[smem:$0x3FBA] =	sst s10  }
0x38: {  	s10 =	sld [smem:$0x3FBB]  }
0x39: {  	_ = 	snop;
	(pc) =	sbr.ind lr, $3  }
0x3a: {  	_ = 	snop  }
0x3b: {  	_ = 	snop  }
0x3c: {  	p2 =	seq.s32 s10, $0x1;
	s10 =	sld [smem:$0x3FBA]  }
0x3d: {  	_ =	shalt  }
0x3e: {  	_ =	shalt  }
0x3f: {  	_ =	shalt  }
0x40: {  	_ =	shalt  }
0x41: {  	_ =	shalt  }
0x42: {  	_ =	shalt  }
0x43: {  	_ =	shalt  }
0x44: {  	_ =	shalt  }
0x45: {  	_ =	shalt  }
0x46: {  	_ =	shalt  }
0x47: {  	_ =	shalt  }
0x48: {  	_ =	shalt  }
0x49: {  	_ =	shalt  }
0x4a: {  	_ =	shalt  }
0x4b: {  	_ =	shalt  }
0x4c: {  	_ =	shalt  }
0x4d: {  	_ =	shalt  }
0x4e: {  	_ =	shalt  }
0x4f: {  	_ =	shalt  }
0x50: {  	_ =	shalt  }
0x51: {  	_ =	shalt  }
0x52: {  	_ =	shalt  }
0x53: {  	_ =	shalt  }
0x54: {  	_ =	shalt  }
0x55: {  	_ =	shalt  }
0x56: {  	_ =	shalt  }
0x57: {  	_ =	shalt  }
0x58: {  	_ =	shalt  }
0x59: {  	_ =	shalt  }
0x5a: {  	_ =	shalt  }
0x5b: {  	_ =	shalt  }
0x5c: {  	_ =	shalt  }
0x5d: {  	_ =	shalt  }
0x5e: {  	_ =	shalt  }
0x5f: {  	_ =	shalt  }
0x60: {  	_ =	shalt  }
0x61: {  	_ =	shalt  }
0x62: {  	_ =	shalt  }
0x63: {  	_ =	shalt  }
0x64: {  	_ =	shalt  }
0x65: {  	_ =	shalt  }
0x66: {  	_ =	shalt  }
0x67: {  	_ =	shalt  }
0x68: {  	_ =	shalt  }
0x69: {  	_ =	shalt  }
0x6a: {  	_ =	shalt  }
0x6b: {  	_ =	shalt  }
0x6c: {  	_ =	shalt  }
0x6d: {  	_ =	shalt  }
0x6e: {  	_ =	shalt  }
0x6f: {  	_ =	shalt  }
0x70: {  	_ =	shalt  }
0x71: {  	_ =	shalt  }
0x72: {  	_ =	shalt  }
0x73: {  	_ =	shalt  }
0x74: {  	_ =	shalt  }
0x75: {  	_ =	shalt  }
0x76: {  	_ =	shalt  }
0x77: {  	_ =	shalt  }
0x78: {  	_ =	shalt  }
0x79: {  	_ =	shalt  }
0x7a: {  	_ =	shalt  }
0x7b: {  	_ =	shalt  }
0x7c: {  	_ =	shalt  }
0x7d: {  	_ =	shalt  }
0x7e: {  	_ =	shalt  }
0x7f: {  	_ =	shalt  }
0x80: {  	_ =	shalt  }
0x81: {  	_ =	shalt  }
0x82: {  	_ =	shalt  }
0x83: {  	_ =	shalt  }
0x84: {  	_ =	shalt  }
0x85: {  	_ =	shalt  }
0x86: {  	_ =	shalt  }
0x87: {  	_ =	shalt  }
.Lfunc_end0:
.L_simem_size_0:
called_computation_lowered:
.L_overlay_start_0:
0x88: {  	s2 =	sld [smem:$0x3FD9]  }
0x89: {  	s3 =	sld [smem:$0x3FFE];
	_ =	sdelay $0x1  }
0x8a: {  	s1 =	srdreg.scid  }
0x8b: {  	s0 =	sand.u32 $0x1, s1  }
0x8c: {  	s15 =	sshll.u32 s0, $0xA;
	s2 =	sadd.s32 s3, s2  }
0x8d: {  	s2 =	sadd.s32 s2, s15  }
0x8e: {  	[smem:$0x3FC6] =	sst s2  }
0x8f: {  	_ = 	snop  }
0x90: {  	s2 =	sld [smem:$0x3FD0];
	_ =	sdelay $0x2  }
0x91: {  	s4 =	simm.s32 $0xA;
	s5 =	simm.s32 $0x10;
	s16 =	sld [smem:$0x3FC8]  }
0x92: {  	[smem:s5], [sflag:s4] =	dma.local [hbm:s2], $0x1  }
0x93: {  	_ =	swait.eq [sflag:s4], $0x1  }
0x94: {  	[sflag:s4] =	ssyncset.done $0x0  }
0x95: {  	s17 =	sld [smem:$0x10];
	[sflag:s4] =	ssyncadd.s32 $0xFFFFFFFF  }
0x96: {  	s18 =	sld [smem:$0x11];
	(tm) =	ssettm $0x1  }
0x97: {  	s19 =	sld [smem:$0x3FFB];
	_ =	sdelay $0x3  }
0x98: {  	_ =	strace s19  }
0x99: {  	s5 =	sld [smem:$0x3FFC];
	_ =	sdelay $0x3  }
0x9a: {  	_ =	strace s5  }
0x9b: {  	s5 =	sld [smem:$0x3FFD];
	_ =	sdelay $0x3  }
0x9c: {  	_ =	strace s5  }
0x9d: {  	_ =	strace $0x8FFFFFFF  }
0x9e: {  	s20 =	sld [smem:$0x3FDB];
	_ =	sdelay $0x1  }
0x9f: {  	s6 =	simm.s32 $_scs_section_size  }
0xa0: {  	s7 =	simm.s32 $_size__tile_overlayer_lowered;
	s8 =	simm.s32 $_tile_overlayer_lowered  }
0xa1: {  	s23 =	simm.s32 $0x1BFF;
	s22 =	sshll.u32 s8, $0x1;
	s5 =	sadd.s32 s6, s20  }
0xa2: {  	s9 =	simm.s32 $0x0;
	s21 =	sshll.u32 s7, $0x1;
	s7 =	sadd.s32 s22, s5  }
0xa3: {  	[timem:s9], [sflag:s23] =	dma.local [hbm:s7], s21  }
0xa4: {  	_ =	swait.ge [sflag:s23], s21  }
0xa5: {  	s6 =	ssub.s32 $0x0, s21;
	[sflag:s23] =	ssyncset.done $0x0  }
0xa6: {  	[sflag:s23] =	ssyncadd.s32 s6;
	_ =	sdelay $0x1  }
0xa7: {  	s24 =	simm.s32 $0x1B8B  }
0xa8: {  	_ =	swait.ge [sflag:s24], $0x1  }
0xa9: {  	[sflag:s24] =	ssyncset.done $0x0  }
0xaa: {  	s25 =	simm.s32 $0x1B8E;
	[sflag:s24] =	ssyncadd.s32 $0xFFFFFFFF  }
0xab: {  	s26 =	simm.s32 $execute0_lowered;
	[smem:$0x3FD2] =	sst s25  }
0xac: {  	s6 =	sshll.u32 s26, $0x1;
	_ =	strace $0x80000046;
	[dreg:$0x1] =	wrdreg $0xFFFFFFFF  }
0xad: {  	s28 =	simm.s32 $_size_execute0_lowered;
	s5 =	sadd.s32 s5, s6;
	[dreg:$0x0] =	wrdreg $0x0  }
0xae: {  	s6 =	sshll.u32 s28, $0x1;
	[dreg:$0x2] =	wrdreg s5  }
0xaf: {  	[dreg:$0x3] =	wrdreg s6  }
0xb0: {  	[dreg:$0x4] =	wrdreg $0xC0  }
0xb1: {  	_ =	task [dreg:s9], $0x5FFFF  }
0xb2: {  	[dreg:$0x1] =	wrdreg $0xFFFFFFFF  }
0xb3: {  	[dreg:$0x0] =	wrdreg $0x60  }
0xb4: {  	[dreg:$0x2] =	wrdreg s16  }
0xb5: {  	[dreg:$0x3] =	wrdreg s17  }
0xb6: {  	[dreg:$0x4] =	wrdreg s18  }
0xb7: {  	[dreg:$0x5] =	wrdreg $0x9  }
0xb8: {  	_ =	task.clear_ibuf [dreg:s9], $0x6FFFF;
	_ =	strace $0x90000046  }
0xb9: {  	s29 =	simm.s32 $0x9;
	_ =	strace $0x80000048  }
0xba: {  	_ =	swait.ge [sflag:s29], $0x1  }
0xbb: {  	[sflag:s29] =	ssyncadd.s32 $0xFFFFFFFF  }
0xbc: {  	_ =	strace $0x90000048  }
0xbd: {  	_ =	sfence  }
0xbe: {  	s30 =	sld [smem:$0x0];
	_ =	sdelay $0x2  }
0xbf: {  	s31 =	sshll.u32 s1, $0xD;
	s1 =	sshrl.u32 s1, $0x2  }
0xc0: {  	s3 =	sand.u32 $0x4000, s31;
	s1 =	sadd.s32 s1, s30  }
0xc1: {  	s0 =	sor.u32 s3, s0;
	s1 =	sshll.u32 s1, $0x11  }
0xc2: {  	s0 =	sor.u32 s1, s0  }
0xc3: {  	s0 =	sadd.s32 $0x8F2B, s0  }
0xc4: {  	[sflag:s0] =	ssyncadd.remote.s32 $0x1  }
0xc5: {  	_ =	sfence.sel $0xFFFF  }
0xc6: {  	[dreg:$0x0] =	wrdreg $0xFFFFFFFF;
	(pc) =	sbr.abs _section_cstart, $3  }
0xc7: {  	[dreg:$0x1] =	wrdreg $0xFFFFFFFF  }
0xc8: {  	_ =	task.clear_ibuf [dreg:s9], $0x2FFFF;
	_ =	strace $0x9FFFFFFF  }
0xc9: {  	(tm) =	ssettm $0x7FFFFFFF  }
tec
execute0_lowered:
.L_overlay_start_1:
0x0: {  	(tag) =	ssettag $0x1  }
0x1: {  	s1 =	rddreg [dreg:$0x0]  }
0x2: {  	s2 =	srdreg.scid;
	s4 =	rddreg [dreg:$0x1]  }
0x3: {  	s0 =	stileid.u32;
	s5 =	rddreg [dreg:$0x2]  }
0x4: {  	s3 =	simm.s32 $0x0;
	s19 =	simm.s32 $0x900;
	s20 =	simm.s32 $0x1100  }
0x5: {  	s21 =	simm.s32 $0x1900;
	s23 =	simm.s32 $0x2100;
	s24 =	simm.s32 $0x2900  }
0x6: {  	s25 =	simm.s32 $0x3100;
	s26 =	simm.s32 $0x3900;
	s8 =	simm.s32 $0x4900  }
0x7: {  	s9 =	simm.s32 $0x5100;
	s10 =	simm.s32 $0x5900;
	s11 =	simm.s32 $0x6100  }
0x8: {  	s12 =	simm.s32 $0x6900;
	s13 =	simm.s32 $0x7100;
	[smem:$0x7FF] =	sst s3  }
0x9: {  	s14 =	simm.s32 $0x7900;
	_ =	strace $0x80000047;
	[dreg:$0x6] =	wrdreg s19  }
0xa: {  	s15 =	simm.s32 $0x8100;
	s16 =	simm.s32 $0x8900;
	[dreg:$0x7] =	wrdreg s20  }
0xb: {  	s17 =	simm.s32 $0x9100;
	s28 =	simm.s32 $0xE100;
	[dreg:$0x8] =	wrdreg s21  }
0xc: {  	s29 =	simm.s32 $0xE900;
	s30 =	simm.s32 $0xF100;
	[dreg:$0x9] =	wrdreg s23  }
0xd: {  	s31 =	simm.s32 $0xF900;
	s2 =	sand.u32 $0x1, s2;
	[dreg:$0xa] =	wrdreg s24  }
0xe: {  	s6 =	sshll.u32 s0, $0x9;
	s7 =	sshll.u32 s2, $0x8;
	[dreg:$0xb] =	wrdreg s25  }
0xf: {  	s2 =	ssub.s32 $0x2, s2;
	[dreg:$0xc] =	wrdreg s26;
	s19 =	simm.s32 $0xA100  }
0x10: {  	s20 =	simm.s32 $0xA900;
	s21 =	simm.s32 $0xB100;
	s23 =	simm.s32 $0xC100  }
0x11: {  	s24 =	simm.s32 $0xC900;
	s25 =	simm.s32 $0xD100;
	s6 =	sor.u32 s7, s6  }
0x12: {  	s26 =	simm.s32 $0xD900;
	s22 =	sshrl.u32 s2, $0x1;
	s7 =	sshrl.u32 s6, $0x3  }
0x13: {  	s6 =	sshll.u32 s6, $0x5;
	s2 =	ssub.s32 s2, s22;
	s4 =	sadd.s32 s4, s7  }
0x14: {  	v2 =	vlaneseq.u32;
	s22 =	simm.s32 $0xB900;
	s18 =	sadd.s32 s5, s6;
	[dreg:$0x4] =	wrdreg s4  }
0x15: {  	vm0 =	vmmov $0xffff;
	v1 =	vshrl.u32 v2, $0x3;
	s5 =	simm.s32 $0x2;
	s6 =	simm.s32 $0x100;
	[dreg:$0x5] =	wrdreg s18  }
0x16: {  	v0 =	vand.u32 $0x7, v2;
	v2 =	vor.u32 $0x8, v2;
	v1 =	vmul.u32 $0x8, v1;
	s4 =	smax.u32 s2, $0x1;
	s18 =	simm.s32 $0x9900;
	s2 =	simm.s32 $0x1  }
.LBB2_1:
0x17: {  	s0 =	rddreg [dreg:$0x4]  }
0x18: {  	[tilespmem:s3], [sflag:$0x2] =	stream.linear.gather [hbm4b:s0+s3], $0x100, $0x38;
	[tilespmem:$0x10100] =	vst v63  }
0x19: {  	_ =	swait.ge [sflag:s5], $0x100  }
0x1a: {  	[sflag:s5] =	ssyncset.done $0x0  }
0x1b: {  	[sflag:s5] =	ssyncadd.s32 $0xFFFFFF00  }
0x1c: {  	v3 =	vld [tilespmem:$0x0];
	_ =	sdelay $0x4  }
0x1d: {  	v4 =	vshll.u32 v3, $0x1  }
0x1e: {  	v3 =	vand.u32 $0x7, v3;
	v4 =	vand.u32 $0xFFFFFFF0, v4  }
0x1f: {  	v3 =	vor.u32 v3, v4  }
0x20: {  	v4 =	vperm.xlane v3, v0;
	_ =	sdelay $0x1  }
0x21: {  	v3 =	vperm.xlane v3, v2;
	v4 =	vadd.s32 v1, v4;
	_ =	sdelay $0x1  }
0x22: {  	v3 =	vadd.s32 v1, v3;
	_ =	sdelay $0x2  }
0x23: {  	[tilespmem:s6], [sflag:$0x1] =	stream.indirect_vreg.gather [hbm4b:s1+s3], $0x80, v4, vm0, $0xb8;
	[tilespmem:$0x10100] =	vst v63  }
0x24: {  	s7 =	rddreg [dreg:$0x6]  }
0x25: {  	[tilespmem:s7], [sflag:$0x1] =	stream.indirect_vreg.gather [hbm4b:s1+s3], $0x80, v3, vm0, $0xb8;
	[tilespmem:$0x10100] =	vst v63  }
0x26: {  	v3 =	vld [tilespmem:$0x10];
	_ =	sdelay $0x4  }
0x27: {  	v49 =	vshll.u32 v3, $0x1  }
0x28: {  	v3 =	vand.u32 $0x7, v3;
	v4 =	vand.u32 $0xFFFFFFF0, v49  }
0x29: {  	v3 =	vor.u32 v3, v4  }
0x2a: {  	v4 =	vperm.xlane v3, v0;
	_ =	sdelay $0x1  }
0x2b: {  	v3 =	vperm.xlane v3, v2;
	v4 =	vadd.s32 v1, v4;
	_ =	sdelay $0x1  }
0x2c: {  	v3 =	vadd.s32 v1, v3;
	_ =	sdelay $0x1  }
0x2d: {  	s0 =	rddreg [dreg:$0x7]  }
0x2e: {  	[tilespmem:s0], [sflag:$0x1] =	stream.indirect_vreg.gather [hbm4b:s1+s3], $0x80, v4, vm0, $0xb8;
	[tilespmem:$0x10100] =	vst v63  }
0x2f: {  	s7 =	rddreg [dreg:$0x8]  }
0x30: {  	[tilespmem:s7], [sflag:$0x1] =	stream.indirect_vreg.gather [hbm4b:s1+s3], $0x80, v3, vm0, $0xb8;
	[tilespmem:$0x10100] =	vst v63  }
0x31: {  	v3 =	vld [tilespmem:$0x20];
	_ =	sdelay $0x4  }
0x32: {  	v50 =	vshll.u32 v3, $0x1  }
0x33: {  	v3 =	vand.u32 $0x7, v3;
	v4 =	vand.u32 $0xFFFFFFF0, v50  }
0x34: {  	v3 =	vor.u32 v3, v4  }
0x35: {  	v4 =	vperm.xlane v3, v0;
	_ =	sdelay $0x1  }
0x36: {  	v3 =	vperm.xlane v3, v2;
	v4 =	vadd.s32 v1, v4;
	_ =	sdelay $0x1  }
0x37: {  	v3 =	vadd.s32 v1, v3;
	_ =	sdelay $0x1  }
0x38: {  	s0 =	rddreg [dreg:$0x9]  }
0x39: {  	[tilespmem:s0], [sflag:$0x1] =	stream.indirect_vreg.gather [hbm4b:s1+s3], $0x80, v4, vm0, $0xb8;
	[tilespmem:$0x10100] =	vst v63  }
0x3a: {  	s7 =	rddreg [dreg:$0xa]  }
0x3b: {  	[tilespmem:s7], [sflag:$0x1] =	stream.indirect_vreg.gather [hbm4b:s1+s3], $0x80, v3, vm0, $0xb8;
	[tilespmem:$0x10100] =	vst v63  }
0x3c: {  	v3 =	vld [tilespmem:$0x30];
	_ =	sdelay $0x4  }
0x3d: {  	v51 =	vshll.u32 v3, $0x1  }
0x3e: {  	v3 =	vand.u32 $0x7, v3;
	v4 =	vand.u32 $0xFFFFFFF0, v51  }
0x3f: {  	v3 =	vor.u32 v3, v4  }
0x40: {  	v4 =	vperm.xlane v3, v0;
	_ =	sdelay $0x1  }
0x41: {  	v3 =	vperm.xlane v3, v2;
	v4 =	vadd.s32 v1, v4;
	_ =	sdelay $0x1  }
0x42: {  	v3 =	vadd.s32 v1, v3;
	_ =	sdelay $0x1  }
0x43: {  	s0 =	rddreg [dreg:$0xb]  }
0x44: {  	[tilespmem:s0], [sflag:$0x1] =	stream.indirect_vreg.gather [hbm4b:s1+s3], $0x80, v4, vm0, $0xb8;
	[tilespmem:$0x10100] =	vst v63  }
0x45: {  	s7 =	rddreg [dreg:$0xc]  }
0x46: {  	[tilespmem:s7], [sflag:$0x1] =	stream.indirect_vreg.gather [hbm4b:s1+s3], $0x80, v3, vm0, $0xb8;
	[tilespmem:$0x10100] =	vst v63  }
0x47: {  	v3 =	vld [tilespmem:$0x40];
	_ =	sdelay $0x4  }
0x48: {  	v52 =	vshll.u32 v3, $0x1  }
0x49: {  	v3 =	vand.u32 $0x7, v3;
	v4 =	vand.u32 $0xFFFFFFF0, v52  }
0x4a: {  	v3 =	vor.u32 v3, v4  }
0x4b: {  	v4 =	vperm.xlane v3, v0;
	_ =	sdelay $0x1  }
0x4c: {  	v3 =	vperm.xlane v3, v2;
	v4 =	vadd.s32 v1, v4;
	_ =	sdelay $0x1  }
0x4d: {  	v3 =	vadd.s32 v1, v3;
	_ =	sdelay $0x1  }
0x4e: {  	s7 =	simm.s32 $0x4100  }
0x4f: {  	[tilespmem:s7], [sflag:$0x1] =	stream.indirect_vreg.gather [hbm4b:s1+s3], $0x80, v4, vm0, $0xb8;
	[tilespmem:$0x10100] =	vst v63  }
0x50: {  	_ = 	snop  }
0x51: {  	[tilespmem:s8], [sflag:$0x1] =	stream.indirect_vreg.gather [hbm4b:s1+s3], $0x80, v3, vm0, $0xb8;
	[tilespmem:$0x10100] =	vst v63  }
0x52: {  	v3 =	vld [tilespmem:$0x50];
	_ =	sdelay $0x4  }
0x53: {  	v53 =	vshll.u32 v3, $0x1  }
0x54: {  	v3 =	vand.u32 $0x7, v3;
	v4 =	vand.u32 $0xFFFFFFF0, v53  }
0x55: {  	v3 =	vor.u32 v3, v4  }
0x56: {  	v4 =	vperm.xlane v3, v0;
	_ =	sdelay $0x1  }
0x57: {  	v3 =	vperm.xlane v3, v2;
	v4 =	vadd.s32 v1, v4;
	_ =	sdelay $0x1  }
0x58: {  	v3 =	vadd.s32 v1, v3;
	_ =	sdelay $0x2  }
0x59: {  	[tilespmem:s9], [sflag:$0x1] =	stream.indirect_vreg.gather [hbm4b:s1+s3], $0x80, v4, vm0, $0xb8;
	[tilespmem:$0x10100] =	vst v63  }
0x5a: {  	_ = 	snop  }
0x5b: {  	[tilespmem:s10], [sflag:$0x1] =	stream.indirect_vreg.gather [hbm4b:s1+s3], $0x80, v3, vm0, $0xb8;
	[tilespmem:$0x10100] =	vst v63  }
0x5c: {  	v3 =	vld [tilespmem:$0x60];
	_ =	sdelay $0x4  }
0x5d: {  	v54 =	vshll.u32 v3, $0x1  }
0x5e: {  	v3 =	vand.u32 $0x7, v3;
	v4 =	vand.u32 $0xFFFFFFF0, v54  }
0x5f: {  	v3 =	vor.u32 v3, v4  }
0x60: {  	v4 =	vperm.xlane v3, v0;
	_ =	sdelay $0x1  }
0x61: {  	v3 =	vperm.xlane v3, v2;
	v4 =	vadd.s32 v1, v4;
	_ =	sdelay $0x1  }
0x62: {  	v3 =	vadd.s32 v1, v3;
	_ =	sdelay $0x2  }
0x63: {  	[tilespmem:s11], [sflag:$0x1] =	stream.indirect_vreg.gather [hbm4b:s1+s3], $0x80, v4, vm0, $0xb8;
	[tilespmem:$0x10100] =	vst v63  }
0x64: {  	_ = 	snop  }
0x65: {  	[tilespmem:s12], [sflag:$0x1] =	stream.indirect_vreg.gather [hbm4b:s1+s3], $0x80, v3, vm0, $0xb8;
	[tilespmem:$0x10100] =	vst v63  }
0x66: {  	v3 =	vld [tilespmem:$0x70];
	_ =	sdelay $0x4  }
0x67: {  	v55 =	vshll.u32 v3, $0x1  }
0x68: {  	v3 =	vand.u32 $0x7, v3;
	v4 =	vand.u32 $0xFFFFFFF0, v55  }
0x69: {  	v3 =	vor.u32 v3, v4  }
0x6a: {  	v4 =	vperm.xlane v3, v0;
	_ =	sdelay $0x1  }
0x6b: {  	v3 =	vperm.xlane v3, v2;
	v4 =	vadd.s32 v1, v4;
	_ =	sdelay $0x1  }
0x6c: {  	v3 =	vadd.s32 v1, v3;
	_ =	sdelay $0x2  }
0x6d: {  	[tilespmem:s13], [sflag:$0x1] =	stream.indirect_vreg.gather [hbm4b:s1+s3], $0x80, v4, vm0, $0xb8;
	[tilespmem:$0x10100] =	vst v63  }
0x6e: {  	_ = 	snop  }
0x6f: {  	[tilespmem:s14], [sflag:$0x1] =	stream.indirect_vreg.gather [hbm4b:s1+s3], $0x80, v3, vm0, $0xb8;
	[tilespmem:$0x10100] =	vst v63  }
0x70: {  	v3 =	vld [tilespmem:$0x80];
	_ =	sdelay $0x4  }
0x71: {  	v56 =	vshll.u32 v3, $0x1  }
0x72: {  	v3 =	vand.u32 $0x7, v3;
	v4 =	vand.u32 $0xFFFFFFF0, v56  }
0x73: {  	v3 =	vor.u32 v3, v4  }
0x74: {  	v4 =	vperm.xlane v3, v0;
	_ =	sdelay $0x1  }
0x75: {  	v3 =	vperm.xlane v3, v2;
	v4 =	vadd.s32 v1, v4;
	_ =	sdelay $0x1  }
0x76: {  	v3 =	vadd.s32 v1, v3;
	_ =	sdelay $0x2  }
0x77: {  	[tilespmem:s15], [sflag:$0x1] =	stream.indirect_vreg.gather [hbm4b:s1+s3], $0x80, v4, vm0, $0xb8;
	[tilespmem:$0x10100] =	vst v63  }
0x78: {  	_ = 	snop  }
0x79: {  	[tilespmem:s16], [sflag:$0x1] =	stream.indirect_vreg.gather [hbm4b:s1+s3], $0x80, v3, vm0, $0xb8;
	[tilespmem:$0x10100] =	vst v63  }
0x7a: {  	v3 =	vld [tilespmem:$0x90];
	_ =	sdelay $0x4  }
0x7b: {  	v57 =	vshll.u32 v3, $0x1  }
0x7c: {  	v3 =	vand.u32 $0x7, v3;
	v4 =	vand.u32 $0xFFFFFFF0, v57  }
0x7d: {  	v3 =	vor.u32 v3, v4  }
0x7e: {  	v4 =	vperm.xlane v3, v0;
	_ =	sdelay $0x1  }
0x7f: {  	v3 =	vperm.xlane v3, v2;
	v4 =	vadd.s32 v1, v4;
	_ =	sdelay $0x1  }
0x80: {  	v3 =	vadd.s32 v1, v3;
	_ =	sdelay $0x2  }
0x81: {  	[tilespmem:s17], [sflag:$0x1] =	stream.indirect_vreg.gather [hbm4b:s1+s3], $0x80, v4, vm0, $0xb8;
	[tilespmem:$0x10100] =	vst v63  }
0x82: {  	_ = 	snop  }
0x83: {  	[tilespmem:s18], [sflag:$0x1] =	stream.indirect_vreg.gather [hbm4b:s1+s3], $0x80, v3, vm0, $0xb8;
	[tilespmem:$0x10100] =	vst v63  }
0x84: {  	v3 =	vld [tilespmem:$0xA0];
	_ =	sdelay $0x4  }
0x85: {  	v58 =	vshll.u32 v3, $0x1  }
0x86: {  	v3 =	vand.u32 $0x7, v3;
	v4 =	vand.u32 $0xFFFFFFF0, v58  }
0x87: {  	v3 =	vor.u32 v3, v4  }
0x88: {  	v4 =	vperm.xlane v3, v0;
	_ =	sdelay $0x1  }
0x89: {  	v3 =	vperm.xlane v3, v2;
	v4 =	vadd.s32 v1, v4;
	_ =	sdelay $0x1  }
0x8a: {  	v3 =	vadd.s32 v1, v3;
	_ =	sdelay $0x2  }
0x8b: {  	[tilespmem:s19], [sflag:$0x1] =	stream.indirect_vreg.gather [hbm4b:s1+s3], $0x80, v4, vm0, $0xb8;
	[tilespmem:$0x10100] =	vst v63  }
0x8c: {  	_ = 	snop  }
0x8d: {  	[tilespmem:s20], [sflag:$0x1] =	stream.indirect_vreg.gather [hbm4b:s1+s3], $0x80, v3, vm0, $0xb8;
	[tilespmem:$0x10100] =	vst v63  }
0x8e: {  	v3 =	vld [tilespmem:$0xB0];
	_ =	sdelay $0x4  }
0x8f: {  	v59 =	vshll.u32 v3, $0x1  }
0x90: {  	v3 =	vand.u32 $0x7, v3;
	v4 =	vand.u32 $0xFFFFFFF0, v59  }
0x91: {  	v3 =	vor.u32 v3, v4  }
0x92: {  	v4 =	vperm.xlane v3, v0;
	_ =	sdelay $0x1  }
0x93: {  	v3 =	vperm.xlane v3, v2;
	v4 =	vadd.s32 v1, v4;
	_ =	sdelay $0x1  }
0x94: {  	v3 =	vadd.s32 v1, v3;
	_ =	sdelay $0x2  }
0x95: {  	[tilespmem:s21], [sflag:$0x1] =	stream.indirect_vreg.gather [hbm4b:s1+s3], $0x80, v4, vm0, $0xb8;
	[tilespmem:$0x10100] =	vst v63  }
0x96: {  	_ = 	snop  }
0x97: {  	[tilespmem:s22], [sflag:$0x1] =	stream.indirect_vreg.gather [hbm4b:s1+s3], $0x80, v3, vm0, $0xb8;
	[tilespmem:$0x10100] =	vst v63  }
0x98: {  	v3 =	vld [tilespmem:$0xC0];
	_ =	sdelay $0x4  }
0x99: {  	v60 =	vshll.u32 v3, $0x1  }
0x9a: {  	v3 =	vand.u32 $0x7, v3;
	v4 =	vand.u32 $0xFFFFFFF0, v60  }
0x9b: {  	v3 =	vor.u32 v3, v4  }
0x9c: {  	v4 =	vperm.xlane v3, v0;
	_ =	sdelay $0x1  }
0x9d: {  	v3 =	vperm.xlane v3, v2;
	v4 =	vadd.s32 v1, v4;
	_ =	sdelay $0x1  }
0x9e: {  	v3 =	vadd.s32 v1, v3;
	_ =	sdelay $0x2  }
0x9f: {  	[tilespmem:s23], [sflag:$0x1] =	stream.indirect_vreg.gather [hbm4b:s1+s3], $0x80, v4, vm0, $0xb8;
	[tilespmem:$0x10100] =	vst v63  }
0xa0: {  	_ = 	snop  }
0xa1: {  	[tilespmem:s24], [sflag:$0x1] =	stream.indirect_vreg.gather [hbm4b:s1+s3], $0x80, v3, vm0, $0xb8;
	[tilespmem:$0x10100] =	vst v63  }
0xa2: {  	v3 =	vld [tilespmem:$0xD0];
	_ =	sdelay $0x4  }
0xa3: {  	v61 =	vshll.u32 v3, $0x1  }
0xa4: {  	v3 =	vand.u32 $0x7, v3;
	v4 =	vand.u32 $0xFFFFFFF0, v61  }
0xa5: {  	v3 =	vor.u32 v3, v4  }
0xa6: {  	v4 =	vperm.xlane v3, v0;
	_ =	sdelay $0x1  }
0xa7: {  	v3 =	vperm.xlane v3, v2;
	v4 =	vadd.s32 v1, v4;
	_ =	sdelay $0x1  }
0xa8: {  	v3 =	vadd.s32 v1, v3;
	_ =	sdelay $0x2  }
0xa9: {  	[tilespmem:s25], [sflag:$0x1] =	stream.indirect_vreg.gather [hbm4b:s1+s3], $0x80, v4, vm0, $0xb8;
	[tilespmem:$0x10100] =	vst v63  }
0xaa: {  	_ = 	snop  }
0xab: {  	[tilespmem:s26], [sflag:$0x1] =	stream.indirect_vreg.gather [hbm4b:s1+s3], $0x80, v3, vm0, $0xb8;
	[tilespmem:$0x10100] =	vst v63  }
0xac: {  	v3 =	vld [tilespmem:$0xE0];
	_ =	sdelay $0x4  }
0xad: {  	v62 =	vshll.u32 v3, $0x1  }
0xae: {  	v3 =	vand.u32 $0x7, v3;
	v4 =	vand.u32 $0xFFFFFFF0, v62  }
0xaf: {  	v3 =	vor.u32 v3, v4  }
0xb0: {  	v4 =	vperm.xlane v3, v0;
	_ =	sdelay $0x1  }
0xb1: {  	v3 =	vperm.xlane v3, v2;
	v4 =	vadd.s32 v1, v4;
	_ =	sdelay $0x1  }
0xb2: {  	v3 =	vadd.s32 v1, v3;
	_ =	sdelay $0x2  }
0xb3: {  	[tilespmem:s28], [sflag:$0x1] =	stream.indirect_vreg.gather [hbm4b:s1+s3], $0x80, v4, vm0, $0xb8;
	[tilespmem:$0x10100] =	vst v63  }
0xb4: {  	_ = 	snop  }
0xb5: {  	[tilespmem:s29], [sflag:$0x1] =	stream.indirect_vreg.gather [hbm4b:s1+s3], $0x80, v3, vm0, $0xb8;
	[tilespmem:$0x10100] =	vst v63  }
0xb6: {  	v3 =	vld [tilespmem:$0xF0];
	_ =	sdelay $0x4  }
0xb7: {  	v63 =	vshll.u32 v3, $0x1  }
0xb8: {  	v3 =	vand.u32 $0x7, v3;
	v4 =	vand.u32 $0xFFFFFFF0, v63  }
0xb9: {  	v3 =	vor.u32 v3, v4  }
0xba: {  	v4 =	vperm.xlane v3, v0;
	_ =	sdelay $0x1  }
0xbb: {  	v3 =	vperm.xlane v3, v2;
	v4 =	vadd.s32 v1, v4;
	_ =	sdelay $0x1  }
0xbc: {  	v3 =	vadd.s32 v1, v3;
	_ =	sdelay $0x2  }
0xbd: {  	[tilespmem:s30], [sflag:$0x1] =	stream.indirect_vreg.gather [hbm4b:s1+s3], $0x80, v4, vm0, $0xb8;
	[tilespmem:$0x10100] =	vst v63  }
0xbe: {  	_ = 	snop  }
0xbf: {  	[tilespmem:s31], [sflag:$0x1] =	stream.indirect_vreg.gather [hbm4b:s1+s3], $0x80, v3, vm0, $0xb8;
	[tilespmem:$0x10100] =	vst v63  }
0xc0: {  	_ =	swait.ge [sflag:s2], $0x10000  }
0xc1: {  	p0 =	sne.s32 s4, $0x1;
	[sflag:s2] =	ssyncset.done $0x0  }
.Ltmp0:
0xc2: {  	s7 =	rddreg [dreg:$0x5];
	[sflag:s2] =	ssyncadd.s32 $0xFFFF0000;
	(pc) =	sbr.rel @p0 .LBB2_1-.Ltmp0, $4  }
0xc3: {  	[hbm4b:s7+s3] =	stream.linear.scatter [tilespmem:s6], [sflag:$0x2], $0x10000, $0x38;
	[tilespmem:$0x10100] =	vst v63  }
0xc4: {  	_ =	swait.ge [sflag:s5], $0x10000  }
0xc5: {  	[sflag:s5] =	ssyncset.done $0x0  }
0xc6: {  	s4 =	sadd.s32 $0xFFFFFFFF, s4;
	[sflag:s5] =	ssyncadd.s32 $0xFFFF0000  }
0xc7: {  	_ =	sfence.sel $0x180000  }
0xc8: {  	[bflag:$0x0] =	sbarrier.arrive $0xFFFF  }
0xc9: {  	_ =	strace $0x90000047  }
0xca: {  	s0 =	stileid.u32;
	[bflag:$0x2] =	sbarrier.arrive $0xFFFF  }
0xcb: {  	p0 =	sne.s32 s0, $0x0;
	s0 =	rddreg [dreg:$0x3]  }
0xcc: {  	s0 =	sadd.s32 @!p0 $0x100000, s0  }
0xcd: {  	[sflag:s0] =	ssyncadd.tile.s32 @!p0 $0x1;
	_ =	shalt  }
.Lfunc_end2:
_tile_overlayer_lowered:
.L_overlay_start_2:
0xce: {  	(tag) =	ssettag $0x2  }
0xcf: {  	s0 =	rddreg [dreg:$0x0];
	s2 =	stileid.u32  }
0xd0: {  	s1 =	rddreg [dreg:$0x1];
	p0 =	sne.s32 s2, $0x0  }
0xd1: {  	s3 =	rddreg [dreg:$0x2];
	[bflag:$0x3] =	sbarrier.arrive $0xFFFF;
	s2 =	simm.s32 @!p0 $0x1C02  }
0xd2: {  	[timem:s3], [sflag:s2] =	dma.local @!p0 [hbm:s0], s1  }
0xd3: {  	s0 =	simm.s32 @!p0 $0x2  }
0xd4: {  	_ =	swait.ge @!p0 [sflag:s0], s1  }
0xd5: {  	s1 =	ssub.s32 @!p0 $0x0, s1;
	[sflag:s0] =	ssyncset.done @!p0 $0x0  }
0xd6: {  	[sflag:s0] =	ssyncadd.s32 @!p0 s1  }
0xd7: {  	[bflag:$0x3] =	sbarrier.arrive $0xFFFF  }
0xd8: {  	_ =	shalt  }

</sc_bundles>
